<compile_context>
chip_gen: v7x
topology: tpu7x:2x2x1
jax: 0.10.2.dev20260603
libtpu: 0.0.44.dev20260713+nightly
codegen_flags: <defaults>
</compile_context>

<pallas_src>
import functools

import jax
import jax.numpy as jnp
from jax import lax
from jax.experimental import pallas as pl
from jax.experimental.pallas import tpu as pltpu
from jax.experimental.pallas import tpu_sc as plsc

_N = 10000
_D = 128
_H = 64
_Z = 32
_E = 320000
_EPS = 1e-3

_NW = 32
_CHUNK = 80
_CH = 125
_EPW = _CH * _CHUNK
_RPT = _N // 16



def _tc1_body(x_ref, w_ref, g_ref, v_ref, o_ref):
    scale = g_ref[...] * lax.rsqrt(v_ref[...] + _EPS)
    o_ref[...] = jnp.dot(x_ref[...], w_ref[...] * scale,
                         preferred_element_type=jnp.float32)


def _tc2_body(am_ref, ad_ref, w2_ref, g1_ref, b1_ref, m1_ref, v1_ref,
              g2_ref, v2_ref, o_ref):
    acc = am_ref[:, 0:_H] + am_ref[:, _H:2 * _H]
    deg = ad_ref[:, 0:1] + ad_ref[:, 8:9]
    inv = jnp.where(deg > 0, 1.0 / deg, 0.0)
    s1 = g1_ref[...] * lax.rsqrt(v1_ref[...] + _EPS)
    sh1 = b1_ref[...] - m1_ref[...] * s1
    h = jnp.maximum(acc * inv + sh1, 0.0)
    s2 = g2_ref[...] * lax.rsqrt(v2_ref[...] + _EPS)
    o_ref[...] = jnp.dot(h, w2_ref[...] * s2,
                         preferred_element_type=jnp.float32)


def _tc3_body(az_ref, ad_ref, g2_ref, b2_ref, m2_ref, v2_ref, o_ref):
    acc = az_ref[:, 0:_Z] + az_ref[:, _Z:2 * _Z]
    deg = ad_ref[:, 0:1] + ad_ref[:, 8:9]
    inv = jnp.where(deg > 0, 1.0 / deg, 0.0)
    s2 = g2_ref[...] * lax.rsqrt(v2_ref[...] + _EPS)
    sh2 = b2_ref[...] - m2_ref[...] * s2
    o_ref[...] = acc * inv + sh2



_mesh = plsc.VectorSubcoreMesh(core_axis_name="c", subcore_axis_name="s")


def _scatter_loop(src_s, ridx, cidx, bufa, bufb, sema, semb, scatter_fn):
    pltpu.async_copy(src_s.at[cidx.at[pl.ds(0, _CHUNK)]], bufa, sema)
    pltpu.async_copy(src_s.at[cidx.at[pl.ds(_CHUNK, _CHUNK)]], bufb, semb)

    def body(i, carry):
        j0 = 2 * i
        pltpu.make_async_copy(
            src_s.at[cidx.at[pl.ds(j0 * _CHUNK, _CHUNK)]], bufa, sema).wait()
        scatter_fn(bufa, j0)

        @pl.when(j0 + 2 < _CH)
        def _():
            pltpu.async_copy(
                src_s.at[cidx.at[pl.ds((j0 + 2) * _CHUNK, _CHUNK)]],
                bufa, sema)

        j1 = j0 + 1
        pltpu.make_async_copy(
            src_s.at[cidx.at[pl.ds(j1 * _CHUNK, _CHUNK)]], bufb, semb).wait()
        scatter_fn(bufb, j1)

        @pl.when(j1 + 2 < _CH)
        def _():
            pltpu.async_copy(
                src_s.at[cidx.at[pl.ds((j1 + 2) * _CHUNK, _CHUNK)]],
                bufb, semb)

        return carry

    lax.fori_loop(0, _CH // 2, body, 0)
    if _CH % 2:
        j = _CH - 1
        pltpu.make_async_copy(
            src_s.at[cidx.at[pl.ds(j * _CHUNK, _CHUNK)]], bufa, sema).wait()
        scatter_fn(bufa, j)


@functools.partial(
    pl.kernel,
    out_type=(
        jax.ShapeDtypeStruct((_N, 2 * _H), jnp.float32),
        jax.ShapeDtypeStruct((_N, 16), jnp.float32),
    ),
    mesh=_mesh,
    scratch_types=[
        pltpu.VMEM((_EPW,), jnp.int32),
        pltpu.VMEM((_EPW,), jnp.int32),
        pltpu.VMEM((_CHUNK, _H), jnp.float32),
        pltpu.VMEM((_CHUNK, _H), jnp.float32),
        pltpu.VMEM((_CHUNK, 8), jnp.float32),
        pltpu.VMEM_SHARED((_N, _H), jnp.float32),
        pltpu.VMEM_SHARED((_N, _H), jnp.float32),
        pltpu.VMEM_SHARED((_N, 8), jnp.float32),
        pltpu.SemaphoreType.DMA,
        pltpu.SemaphoreType.DMA,
    ],
    compiler_params=pltpu.CompilerParams(use_tc_tiling_on_sc=False),
)
def _sc_layer1(edges_hbm, xw_hbm, zrow_hbm, zdeg_hbm, ones_hbm,
               outm_hbm, outd_hbm,
               ridx, cidx, bufa, bufb, ones_v, xw_s, accm, accd, sema, semb):
    cid = lax.axis_index("c")
    sid = lax.axis_index("s")
    w = sid * 2 + cid
    e0 = w * _EPW
    r0 = sid * _RPT
    stage = [
        (zrow_hbm, accm.at[pl.ds(r0, _RPT)], sema),
        (zdeg_hbm, accd.at[pl.ds(r0, _RPT)], semb),
        (xw_hbm.at[pl.ds(r0, _RPT)], xw_s.at[pl.ds(r0, _RPT)], sema),
        (edges_hbm.at[0, pl.ds(e0, _EPW)], ridx, semb),
        (edges_hbm.at[1, pl.ds(e0, _EPW)], cidx, sema),
        (ones_hbm, ones_v, semb),
    ]
    for src, dst, sem in stage:
        pltpu.async_copy(src, dst, sem)
    for src, dst, sem in stage:
        pltpu.make_async_copy(src, dst, sem).wait()
    plsc.subcore_barrier()

    def scatter(buf, j):
        dst = ridx.at[pl.ds(j * _CHUNK, _CHUNK)]
        pltpu.sync_copy(buf, accm.at[dst], add=True)
        pltpu.sync_copy(ones_v, accd.at[dst], add=True)

    _scatter_loop(xw_s, ridx, cidx, bufa, bufb, sema, semb, scatter)
    plsc.subcore_barrier()
    pltpu.sync_copy(accm.at[pl.ds(r0, _RPT)],
                    outm_hbm.at[pl.ds(r0, _RPT), pl.ds(cid * _H, _H)])
    pltpu.sync_copy(accd.at[pl.ds(r0, _RPT)],
                    outd_hbm.at[pl.ds(r0, _RPT), pl.ds(cid * 8, 8)])


@functools.partial(
    pl.kernel,
    out_type=jax.ShapeDtypeStruct((_N, 2 * _Z), jnp.float32),
    mesh=_mesh,
    scratch_types=[
        pltpu.VMEM((_EPW,), jnp.int32),
        pltpu.VMEM((_EPW,), jnp.int32),
        pltpu.VMEM((_CHUNK, _Z), jnp.float32),
        pltpu.VMEM((_CHUNK, _Z), jnp.float32),
        pltpu.VMEM_SHARED((_N, _Z), jnp.float32),
        pltpu.VMEM_SHARED((_N, _Z), jnp.float32),
        pltpu.SemaphoreType.DMA,
        pltpu.SemaphoreType.DMA,
    ],
    compiler_params=pltpu.CompilerParams(use_tc_tiling_on_sc=False),
)
def _sc_layer2(edges_hbm, zw_hbm, zrow_hbm,
               outz_hbm, ridx, cidx, bufa, bufb, zw_s, accz, sema, semb):
    cid = lax.axis_index("c")
    sid = lax.axis_index("s")
    w = sid * 2 + cid
    e0 = w * _EPW
    r0 = sid * _RPT
    stage = [
        (zrow_hbm, accz.at[pl.ds(r0, _RPT)], sema),
        (zw_hbm.at[pl.ds(r0, _RPT)], zw_s.at[pl.ds(r0, _RPT)], semb),
        (edges_hbm.at[0, pl.ds(e0, _EPW)], ridx, sema),
        (edges_hbm.at[1, pl.ds(e0, _EPW)], cidx, semb),
    ]
    for src, dst, sem in stage:
        pltpu.async_copy(src, dst, sem)
    for src, dst, sem in stage:
        pltpu.make_async_copy(src, dst, sem).wait()
    plsc.subcore_barrier()

    def scatter(buf, j):
        dst = ridx.at[pl.ds(j * _CHUNK, _CHUNK)]
        pltpu.sync_copy(buf, accz.at[dst], add=True)

    _scatter_loop(zw_s, ridx, cidx, bufa, bufb, sema, semb, scatter)
    plsc.subcore_barrier()
    pltpu.sync_copy(accz.at[pl.ds(r0, _RPT)],
                    outz_hbm.at[pl.ds(r0, _RPT), pl.ds(cid * _Z, _Z)])



def kernel(x, edge_index, W1, gamma1, beta1, mm1, mv1,
           W2, gamma2, beta2, mm2, mv2):
    f32 = jnp.float32
    edges = edge_index.astype(jnp.int32)

    g1 = gamma1.reshape(1, _H).astype(f32)
    b1 = beta1.reshape(1, _H).astype(f32)
    m1 = mm1.reshape(1, _H).astype(f32)
    v1 = mv1.reshape(1, _H).astype(f32)
    g2 = gamma2.reshape(1, _Z).astype(f32)
    b2 = beta2.reshape(1, _Z).astype(f32)
    m2 = mm2.reshape(1, _Z).astype(f32)
    v2 = mv2.reshape(1, _Z).astype(f32)

    zrow_h = jnp.zeros((_RPT, _H), f32)
    zrow_d = jnp.zeros((_RPT, 8), f32)
    zrow_z = jnp.zeros((_RPT, _Z), f32)
    ones8 = jnp.ones((_CHUNK, 8), f32)

    xw = pl.pallas_call(
        _tc1_body,
        out_shape=jax.ShapeDtypeStruct((_N, _H), f32),
    )(x, W1, g1, v1)

    accm, accd = _sc_layer1(edges, xw, zrow_h, zrow_d, ones8)

    zw = pl.pallas_call(
        _tc2_body,
        out_shape=jax.ShapeDtypeStruct((_N, _Z), f32),
    )(accm, accd, W2, g1, b1, m1, v1, g2, v2)

    accz = _sc_layer2(edges, zw, zrow_z)

    z = pl.pallas_call(
        _tc3_body,
        out_shape=jax.ShapeDtypeStruct((_N, _Z), f32),
    )(accz, accd, g2, b2, m2, v2)
    return z

# --- scband reference (transcript-rebuilt; emitter-appended) ---
"""Pipeline reference for scband-gnnencoder-90271622627497 (READ-ONLY COPY).

The authoritative reference and input builder live on the scoring server;
editing this copy changes nothing except your own understanding.
"""

import jax, jax.numpy as jnp
import numpy as np

N = 10000
E = 320000
D = 128
H = 64
Z = 32
EPS = 1e-3  # keras BatchNormalization default epsilon


def _glorot(key, fan_in, fan_out):
    limit = np.sqrt(6.0 / (fan_in + fan_out)).astype(np.float32)
    return jax.random.uniform(key, (fan_in, fan_out), dtype=jnp.float32, minval=-limit, maxval=limit)


def setup_inputs(seed: int = 0) -> dict:
    key = jax.random.key(seed)
    ks = jax.random.split(key, 4)
    x = jax.random.normal(ks[0], (N, D), dtype=jnp.float32)
    edge_index = jax.random.randint(ks[1], (2, E), 0, N, dtype=jnp.int32)
    W1 = _glorot(ks[2], D, H)
    W2 = _glorot(ks[3], H, Z)
    gamma1 = jnp.ones((H,), jnp.float32)
    beta1 = jnp.zeros((H,), jnp.float32)
    mm1 = jnp.zeros((H,), jnp.float32)
    mv1 = jnp.ones((H,), jnp.float32)
    gamma2 = jnp.ones((Z,), jnp.float32)
    beta2 = jnp.zeros((Z,), jnp.float32)
    mm2 = jnp.zeros((Z,), jnp.float32)
    mv2 = jnp.ones((Z,), jnp.float32)
    return {"x": x, "edge_index": edge_index, "W1": W1, "gamma1": gamma1, "beta1": beta1,
            "mm1": mm1, "mv1": mv1, "W2": W2, "gamma2": gamma2, "beta2": beta2,
            "mm2": mm2, "mv2": mv2}


def _spmm_rownorm(xw, edge_index):
    # A_norm is the row-normalized adjacency: A_norm[i, j] = 1/deg(i)
    row = edge_index[0]  # destination (output row) of each edge
    col = edge_index[1]  # source node gathered from
    deg = jax.ops.segment_sum(jnp.ones((E,), jnp.float32), row, num_segments=N)
    inv_deg = jnp.where(deg > 0, 1.0 / deg, 0.0)
    msgs = jnp.take(xw, col, axis=0) * inv_deg[row][:, None]
    return jax.ops.segment_sum(msgs, row, num_segments=N)


def _bn_inference(h, gamma, beta, mean, var):
    return (h - mean) * jax.lax.rsqrt(var + EPS) * gamma + beta


def reference(x, edge_index, W1, gamma1, beta1, mm1, mv1, W2, gamma2, beta2, mm2, mv2):
    # GraphConv 1: X' = A_norm @ (X W1)
    h = _spmm_rownorm(jnp.dot(x, W1), edge_index)
    h = _bn_inference(h, gamma1, beta1, mm1, mv1)
    h = jax.nn.relu(h)
    # dropout is identity at inference (training=False)
    z = _spmm_rownorm(jnp.dot(h, W2), edge_index)
    z = _bn_inference(z, gamma2, beta2, mm2, mv2)
    return z

if __name__ == "__main__":
    import jax
    _d = setup_inputs()
    print(jax.jit(kernel)(*tuple(_d.values())))

</pallas_src>

<mosaic_0001>
#map = affine_map<(d0, d1) -> (0, 0)>
module attributes {stable_mosaic.version = 14 : i64} {
  func.func @_sc_layer1(%arg0: i32, %arg1: i32, %arg2: memref<2x320000xi32, #tpu.memory_space<hbm>>, %arg3: memref<10000x64xf32, #tpu.memory_space<hbm>>, %arg4: memref<625x64xf32, #tpu.memory_space<hbm>>, %arg5: memref<625x8xf32, #tpu.memory_space<hbm>>, %arg6: memref<80x8xf32, #tpu.memory_space<hbm>>, %arg7: memref<10000x128xf32, #tpu.memory_space<hbm>>, %arg8: memref<10000x16xf32, #tpu.memory_space<hbm>>, %arg9: memref<10000xi32, #tpu.memory_space<vmem>>, %arg10: memref<10000xi32, #tpu.memory_space<vmem>>, %arg11: memref<80x64xf32, #tpu.memory_space<vmem>>, %arg12: memref<80x64xf32, #tpu.memory_space<vmem>>, %arg13: memref<80x8xf32, #tpu.memory_space<vmem>>, %arg14: memref<10000x64xf32, #tpu.memory_space<vmem_shared>>, %arg15: memref<10000x64xf32, #tpu.memory_space<vmem_shared>>, %arg16: memref<10000x8xf32, #tpu.memory_space<vmem_shared>>, %arg17: memref<!tpu.dma_semaphore, #tpu.memory_space<semaphore_mem>>, %arg18: memref<!tpu.dma_semaphore, #tpu.memory_space<semaphore_mem>>) attributes {dimension_semantics = [#tpu.dimension_semantics<core_parallel>, #tpu.dimension_semantics<subcore_parallel>], iteration_bounds = array<i64: 2, 16>, scalar_prefetch = 0 : i64, scratch_operands = 10 : i64, tpu.core_type = #tpu.core_type<sc_vector_subcore>, window_params = [{transform_indices = #map}, {transform_indices = #map}, {transform_indices = #map}, {transform_indices = #map}, {transform_indices = #map}, {transform_indices = #map}, {transform_indices = #map}]} {
    %mul3A = arith.constant 2 : i32
    %mul3A_0 = arith.muli %arg1, %mul3A : i32
    %add3A = arith.addi %mul3A_0, %arg0 : i32
    %mul3A_1 = arith.constant 10000 : i32
    %mul3A_2 = arith.muli %add3A, %mul3A_1 : i32
    %mul3A_3 = arith.constant 625 : i32
    %mul3A_4 = arith.muli %arg1, %mul3A_3 : i32
    %dma_start3A = arith.constant 0 : i32
    %dma_start3A_5 = tpu.memref_slice %arg15[%mul3A_4, %dma_start3A] : memref<10000x64xf32, #tpu.memory_space<vmem_shared>> -> memref<625x64xf32, #tpu.memory_space<vmem_shared>>
    tpu.enqueue_dma source(%arg4 : memref<625x64xf32, #tpu.memory_space<hbm>>) target(%dma_start3A_5 : memref<625x64xf32, #tpu.memory_space<vmem_shared>>) target_semaphore(%arg17 : memref<!tpu.dma_semaphore, #tpu.memory_space<semaphore_mem>>)
    %dma_start3A_6 = arith.constant 0 : i32
    %dma_start3A_7 = tpu.memref_slice %arg16[%mul3A_4, %dma_start3A_6] : memref<10000x8xf32, #tpu.memory_space<vmem_shared>> -> memref<625x8xf32, #tpu.memory_space<vmem_shared>>
    tpu.enqueue_dma source(%arg5 : memref<625x8xf32, #tpu.memory_space<hbm>>) target(%dma_start3A_7 : memref<625x8xf32, #tpu.memory_space<vmem_shared>>) target_semaphore(%arg18 : memref<!tpu.dma_semaphore, #tpu.memory_space<semaphore_mem>>)
    %dma_start3A_8 = arith.constant 0 : i32
    %dma_start3A_9 = tpu.memref_slice %arg14[%mul3A_4, %dma_start3A_8] : memref<10000x64xf32, #tpu.memory_space<vmem_shared>> -> memref<625x64xf32, #tpu.memory_space<vmem_shared>>
    %dma_start3A_10 = arith.constant 0 : i32
    %dma_start3A_11 = tpu.memref_slice %arg3[%mul3A_4, %dma_start3A_10] : memref<10000x64xf32, #tpu.memory_space<hbm>> -> memref<625x64xf32, #tpu.memory_space<hbm>>
    tpu.enqueue_dma source(%dma_start3A_11 : memref<625x64xf32, #tpu.memory_space<hbm>>) target(%dma_start3A_9 : memref<625x64xf32, #tpu.memory_space<vmem_shared>>) target_semaphore(%arg17 : memref<!tpu.dma_semaphore, #tpu.memory_space<semaphore_mem>>)
    %dma_start3A_12 = arith.constant 0 : i32
    %dma_start3A_13 = tpu.memref_slice %arg2[%dma_start3A_12, %mul3A_2] : memref<2x320000xi32, #tpu.memory_space<hbm>> -> memref<1x10000xi32, #tpu.memory_space<hbm>>
    %dma_start3A_14 = tpu.memref_squeeze %dma_start3A_13 : memref<1x10000xi32, #tpu.memory_space<hbm>> -> memref<10000xi32, #tpu.memory_space<hbm>>
    %dma_start3A_15 = tpu.memref_slice %arg2[%dma_start3A_12, %mul3A_2] : memref<2x320000xi32, #tpu.memory_space<hbm>> -> memref<1x10000xi32, #tpu.memory_space<hbm>>
    %dma_start3A_16 = tpu.memref_squeeze %dma_start3A_15 : memref<1x10000xi32, #tpu.memory_space<hbm>> -> memref<10000xi32, #tpu.memory_space<hbm>>
    tpu.enqueue_dma source(%dma_start3A_16 : memref<10000xi32, #tpu.memory_space<hbm>>) target(%arg9 : memref<10000xi32, #tpu.memory_space<vmem>>) target_semaphore(%arg18 : memref<!tpu.dma_semaphore, #tpu.memory_space<semaphore_mem>>)
    %dma_start3A_17 = arith.constant 1 : i32
    %dma_start3A_18 = tpu.memref_slice %arg2[%dma_start3A_17, %mul3A_2] : memref<2x320000xi32, #tpu.memory_space<hbm>> -> memref<1x10000xi32, #tpu.memory_space<hbm>>
    %dma_start3A_19 = tpu.memref_squeeze %dma_start3A_18 : memref<1x10000xi32, #tpu.memory_space<hbm>> -> memref<10000xi32, #tpu.memory_space<hbm>>
    %dma_start3A_20 = tpu.memref_slice %arg2[%dma_start3A_17, %mul3A_2] : memref<2x320000xi32, #tpu.memory_space<hbm>> -> memref<1x10000xi32, #tpu.memory_space<hbm>>
    %dma_start3A_21 = tpu.memref_squeeze %dma_start3A_20 : memref<1x10000xi32, #tpu.memory_space<hbm>> -> memref<10000xi32, #tpu.memory_space<hbm>>
    tpu.enqueue_dma source(%dma_start3A_21 : memref<10000xi32, #tpu.memory_space<hbm>>) target(%arg10 : memref<10000xi32, #tpu.memory_space<vmem>>) target_semaphore(%arg17 : memref<!tpu.dma_semaphore, #tpu.memory_space<semaphore_mem>>)
    tpu.enqueue_dma source(%arg6 : memref<80x8xf32, #tpu.memory_space<hbm>>) target(%arg13 : memref<80x8xf32, #tpu.memory_space<vmem>>) target_semaphore(%arg18 : memref<!tpu.dma_semaphore, #tpu.memory_space<semaphore_mem>>)
    %dma_wait3A = arith.constant 0 : i32
    %dma_wait3A_22 = tpu.memref_slice %arg15[%mul3A_4, %dma_wait3A] : memref<10000x64xf32, #tpu.memory_space<vmem_shared>> -> memref<625x64xf32, #tpu.memory_space<vmem_shared>>
    tpu.wait_dma2 semaphore(%arg17 : memref<!tpu.dma_semaphore, #tpu.memory_space<semaphore_mem>>) src(%arg4 : memref<625x64xf32, #tpu.memory_space<hbm>>) dst(%dma_wait3A_22 : memref<625x64xf32, #tpu.memory_space<vmem_shared>>)
    %dma_wait3A_23 = arith.constant 0 : i32
    %dma_wait3A_24 = tpu.memref_slice %arg16[%mul3A_4, %dma_wait3A_23] : memref<10000x8xf32, #tpu.memory_space<vmem_shared>> -> memref<625x8xf32, #tpu.memory_space<vmem_shared>>
    tpu.wait_dma2 semaphore(%arg18 : memref<!tpu.dma_semaphore, #tpu.memory_space<semaphore_mem>>) src(%arg5 : memref<625x8xf32, #tpu.memory_space<hbm>>) dst(%dma_wait3A_24 : memref<625x8xf32, #tpu.memory_space<vmem_shared>>)
    %dma_wait3A_25 = arith.constant 0 : i32
    %dma_wait3A_26 = tpu.memref_slice %arg14[%mul3A_4, %dma_wait3A_25] : memref<10000x64xf32, #tpu.memory_space<vmem_shared>> -> memref<625x64xf32, #tpu.memory_space<vmem_shared>>
    %dma_wait3A_27 = arith.constant 0 : i32
    %dma_wait3A_28 = tpu.memref_slice %arg3[%mul3A_4, %dma_wait3A_27] : memref<10000x64xf32, #tpu.memory_space<hbm>> -> memref<625x64xf32, #tpu.memory_space<hbm>>
    tpu.wait_dma2 semaphore(%arg17 : memref<!tpu.dma_semaphore, #tpu.memory_space<semaphore_mem>>) src(%dma_wait3A_28 : memref<625x64xf32, #tpu.memory_space<hbm>>) dst(%dma_wait3A_26 : memref<625x64xf32, #tpu.memory_space<vmem_shared>>)
    %dma_wait3A_29 = arith.constant 0 : i32
    %dma_wait3A_30 = tpu.memref_slice %arg2[%dma_wait3A_29, %mul3A_2] : memref<2x320000xi32, #tpu.memory_space<hbm>> -> memref<1x10000xi32, #tpu.memory_space<hbm>>
    %dma_wait3A_31 = tpu.memref_squeeze %dma_wait3A_30 : memref<1x10000xi32, #tpu.memory_space<hbm>> -> memref<10000xi32, #tpu.memory_space<hbm>>
    %dma_wait3A_32 = tpu.memref_slice %arg2[%dma_wait3A_29, %mul3A_2] : memref<2x320000xi32, #tpu.memory_space<hbm>> -> memref<1x10000xi32, #tpu.memory_space<hbm>>
    %dma_wait3A_33 = tpu.memref_squeeze %dma_wait3A_32 : memref<1x10000xi32, #tpu.memory_space<hbm>> -> memref<10000xi32, #tpu.memory_space<hbm>>
    tpu.wait_dma2 semaphore(%arg18 : memref<!tpu.dma_semaphore, #tpu.memory_space<semaphore_mem>>) src(%dma_wait3A_33 : memref<10000xi32, #tpu.memory_space<hbm>>) dst(%arg9 : memref<10000xi32, #tpu.memory_space<vmem>>)
    %dma_wait3A_34 = arith.constant 1 : i32
    %dma_wait3A_35 = tpu.memref_slice %arg2[%dma_wait3A_34, %mul3A_2] : memref<2x320000xi32, #tpu.memory_space<hbm>> -> memref<1x10000xi32, #tpu.memory_space<hbm>>
    %dma_wait3A_36 = tpu.memref_squeeze %dma_wait3A_35 : memref<1x10000xi32, #tpu.memory_space<hbm>> -> memref<10000xi32, #tpu.memory_space<hbm>>
    %dma_wait3A_37 = tpu.memref_slice %arg2[%dma_wait3A_34, %mul3A_2] : memref<2x320000xi32, #tpu.memory_space<hbm>> -> memref<1x10000xi32, #tpu.memory_space<hbm>>
    %dma_wait3A_38 = tpu.memref_squeeze %dma_wait3A_37 : memref<1x10000xi32, #tpu.memory_space<hbm>> -> memref<10000xi32, #tpu.memory_space<hbm>>
    tpu.wait_dma2 semaphore(%arg17 : memref<!tpu.dma_semaphore, #tpu.memory_space<semaphore_mem>>) src(%dma_wait3A_38 : memref<10000xi32, #tpu.memory_space<hbm>>) dst(%arg10 : memref<10000xi32, #tpu.memory_space<vmem>>)
    tpu.wait_dma2 semaphore(%arg18 : memref<!tpu.dma_semaphore, #tpu.memory_space<semaphore_mem>>) src(%arg6 : memref<80x8xf32, #tpu.memory_space<hbm>>) dst(%arg13 : memref<80x8xf32, #tpu.memory_space<vmem>>)
    %barrier3A = arith.constant 0 : index
    tpu.barrier barrier_id(%barrier3A)
    %dma_start3A_39 = arith.constant 0 : i32
    %dma_start3A_40 = tpu.memref_slice %arg10[%dma_start3A_39] : memref<10000xi32, #tpu.memory_space<vmem>> -> memref<80xi32, #tpu.memory_space<vmem>>
    %dma_start3A_41 = arith.constant 0 : i32
    %dma_start3A_42 = arith.constant 0 : i32
    %dma_start3A_43 = tpu.memref_slice %arg14[%dma_start3A_41, %dma_start3A_42] : memref<10000x64xf32, #tpu.memory_space<vmem_shared>> -> memref<10000x64xf32, #tpu.memory_space<vmem_shared>>
    tpu.enqueue_indirect_dma source(%dma_start3A_43 : memref<10000x64xf32, #tpu.memory_space<vmem_shared>>) target(%arg11 : memref<80x64xf32, #tpu.memory_space<vmem>>) offsets(%dma_start3A_40 : memref<80xi32, #tpu.memory_space<vmem>>) semaphore(%arg17 : memref<!tpu.dma_semaphore, #tpu.memory_space<semaphore_mem>>)
    %dma_start3A_44 = arith.constant 80 : i32
    %dma_start3A_45 = tpu.memref_slice %arg10[%dma_start3A_44] : memref<10000xi32, #tpu.memory_space<vmem>> -> memref<80xi32, #tpu.memory_space<vmem>>
    %dma_start3A_46 = arith.constant 0 : i32
    %dma_start3A_47 = arith.constant 0 : i32
    %dma_start3A_48 = tpu.memref_slice %arg14[%dma_start3A_46, %dma_start3A_47] : memref<10000x64xf32, #tpu.memory_space<vmem_shared>> -> memref<10000x64xf32, #tpu.memory_space<vmem_shared>>
    tpu.enqueue_indirect_dma source(%dma_start3A_48 : memref<10000x64xf32, #tpu.memory_space<vmem_shared>>) target(%arg12 : memref<80x64xf32, #tpu.memory_space<vmem>>) offsets(%dma_start3A_45 : memref<80xi32, #tpu.memory_space<vmem>>) semaphore(%arg18 : memref<!tpu.dma_semaphore, #tpu.memory_space<semaphore_mem>>)
    %scan3A = arith.constant 0 : i32
    %scan3A_49 = arith.constant 0 : i32
    %scan3A_50 = arith.constant 62 : i32
    %scan3A_51 = arith.addi %scan3A_49, %scan3A_50 : i32
    %scan3A_52 = arith.constant 1 : i32
    scf.for %scan3A_64 = %scan3A_49 to %scan3A_51 step %scan3A_52  : i32 {
      %mul3A_65 = arith.constant 2 : i32
      %mul3A_66 = arith.muli %mul3A_65, %scan3A_64 : i32
      %mul3A_67 = arith.constant 80 : i32
      %mul3A_68 = arith.muli %mul3A_66, %mul3A_67 : i32
      %dma_wait3A_69 = tpu.memref_slice %arg10[%mul3A_68] : memref<10000xi32, #tpu.memory_space<vmem>> -> memref<80xi32, #tpu.memory_space<vmem>>
      %dma_wait3A_70 = arith.constant 0 : i32
      %dma_wait3A_71 = arith.constant 0 : i32
      %dma_wait3A_72 = tpu.memref_slice %arg14[%dma_wait3A_70, %dma_wait3A_71] : memref<10000x64xf32, #tpu.memory_space<vmem_shared>> -> memref<10000x64xf32, #tpu.memory_space<vmem_shared>>
      tpu.wait_indirect_dma semaphore(%arg17 : memref<!tpu.dma_semaphore, #tpu.memory_space<semaphore_mem>>) src(%dma_wait3A_72 : memref<10000x64xf32, #tpu.memory_space<vmem_shared>>) dst(%arg11 : memref<80x64xf32, #tpu.memory_space<vmem>>)
      %mul3A_73 = arith.constant 80 : i32
      %mul3A_74 = arith.muli %mul3A_66, %mul3A_73 : i32
      "tpu.region"() ({
        %run_scoped3A = tpu.sem_alloc : memref<!tpu.dma_semaphore, #tpu.memory_space<semaphore_mem>>
        %dma_start3A_96 = tpu.memref_slice %arg9[%mul3A_74] : memref<10000xi32, #tpu.memory_space<vmem>> -> memref<80xi32, #tpu.memory_space<vmem>>
        %dma_start3A_97 = arith.constant 0 : i32
        %dma_start3A_98 = arith.constant 0 : i32
        %dma_start3A_99 = tpu.memref_slice %arg15[%dma_start3A_97, %dma_start3A_98] : memref<10000x64xf32, #tpu.memory_space<vmem_shared>> -> memref<10000x64xf32, #tpu.memory_space<vmem_shared>>
        tpu.enqueue_indirect_dma source(%arg11 : memref<80x64xf32, #tpu.memory_space<vmem>>) target(%dma_start3A_99 : memref<10000x64xf32, #tpu.memory_space<vmem_shared>>) offsets(%dma_start3A_96 : memref<80xi32, #tpu.memory_space<vmem>>) semaphore(%run_scoped3A : memref<!tpu.dma_semaphore, #tpu.memory_space<semaphore_mem>>) {add = true}
        %dma_wait3A_100 = tpu.memref_slice %arg9[%mul3A_74] : memref<10000xi32, #tpu.memory_space<vmem>> -> memref<80xi32, #tpu.memory_space<vmem>>
        %dma_wait3A_101 = arith.constant 0 : i32
        %dma_wait3A_102 = arith.constant 0 : i32
        %dma_wait3A_103 = tpu.memref_slice %arg15[%dma_wait3A_101, %dma_wait3A_102] : memref<10000x64xf32, #tpu.memory_space<vmem_shared>> -> memref<10000x64xf32, #tpu.memory_space<vmem_shared>>
        tpu.wait_indirect_dma semaphore(%run_scoped3A : memref<!tpu.dma_semaphore, #tpu.memory_space<semaphore_mem>>) src(%arg11 : memref<80x64xf32, #tpu.memory_space<vmem>>) dst(%dma_wait3A_103 : memref<10000x64xf32, #tpu.memory_space<vmem_shared>>)
        tpu.yield
      }) : () -> ()
      "tpu.region"() ({
        %run_scoped3A = tpu.sem_alloc : memref<!tpu.dma_semaphore, #tpu.memory_space<semaphore_mem>>
        %dma_start3A_96 = tpu.memref_slice %arg9[%mul3A_74] : memref<10000xi32, #tpu.memory_space<vmem>> -> memref<80xi32, #tpu.memory_space<vmem>>
        %dma_start3A_97 = arith.constant 0 : i32
        %dma_start3A_98 = arith.constant 0 : i32
        %dma_start3A_99 = tpu.memref_slice %arg16[%dma_start3A_97, %dma_start3A_98] : memref<10000x8xf32, #tpu.memory_space<vmem_shared>> -> memref<10000x8xf32, #tpu.memory_space<vmem_shared>>
        tpu.enqueue_indirect_dma source(%arg13 : memref<80x8xf32, #tpu.memory_space<vmem>>) target(%dma_start3A_99 : memref<10000x8xf32, #tpu.memory_space<vmem_shared>>) offsets(%dma_start3A_96 : memref<80xi32, #tpu.memory_space<vmem>>) semaphore(%run_scoped3A : memref<!tpu.dma_semaphore, #tpu.memory_space<semaphore_mem>>) {add = true}
        %dma_wait3A_100 = tpu.memref_slice %arg9[%mul3A_74] : memref<10000xi32, #tpu.memory_space<vmem>> -> memref<80xi32, #tpu.memory_space<vmem>>
        %dma_wait3A_101 = arith.constant 0 : i32
        %dma_wait3A_102 = arith.constant 0 : i32
        %dma_wait3A_103 = tpu.memref_slice %arg16[%dma_wait3A_101, %dma_wait3A_102] : memref<10000x8xf32, #tpu.memory_space<vmem_shared>> -> memref<10000x8xf32, #tpu.memory_space<vmem_shared>>
        tpu.wait_indirect_dma semaphore(%run_scoped3A : memref<!tpu.dma_semaphore, #tpu.memory_space<semaphore_mem>>) src(%arg13 : memref<80x8xf32, #tpu.memory_space<vmem>>) dst(%dma_wait3A_103 : memref<10000x8xf32, #tpu.memory_space<vmem_shared>>)
        tpu.yield
      }) : () -> ()
      %add3A_75 = arith.constant 2 : i32
      %add3A_76 = arith.addi %mul3A_66, %add3A_75 : i32
      %lt3A = arith.constant 125 : i32
      %lt3A_77 = arith.cmpi slt, %add3A_76, %lt3A : i32
      %convert_element_type3A = arith.extui %lt3A_77 : i1 to i32
      %cond3A = arith.constant 0 : i32
      %cond3A_78 = arith.cmpi ne, %convert_element_type3A, %cond3A : i32
      scf.if %cond3A_78 {
        %add3A_96 = arith.constant 2 : i32
        %add3A_97 = arith.addi %mul3A_66, %add3A_96 : i32
        %mul3A_98 = arith.constant 80 : i32
        %mul3A_99 = arith.muli %add3A_97, %mul3A_98 : i32
        %dma_start3A_100 = tpu.memref_slice %arg10[%mul3A_99] : memref<10000xi32, #tpu.memory_space<vmem>> -> memref<80xi32, #tpu.memory_space<vmem>>
        %dma_start3A_101 = arith.constant 0 : i32
        %dma_start3A_102 = arith.constant 0 : i32
        %dma_start3A_103 = tpu.memref_slice %arg14[%dma_start3A_101, %dma_start3A_102] : memref<10000x64xf32, #tpu.memory_space<vmem_shared>> -> memref<10000x64xf32, #tpu.memory_space<vmem_shared>>
        tpu.enqueue_indirect_dma source(%dma_start3A_103 : memref<10000x64xf32, #tpu.memory_space<vmem_shared>>) target(%arg11 : memref<80x64xf32, #tpu.memory_space<vmem>>) offsets(%dma_start3A_100 : memref<80xi32, #tpu.memory_space<vmem>>) semaphore(%arg17 : memref<!tpu.dma_semaphore, #tpu.memory_space<semaphore_mem>>)
      } else {
      }
      %add3A_79 = arith.constant 1 : i32
      %add3A_80 = arith.addi %mul3A_66, %add3A_79 : i32
      %mul3A_81 = arith.constant 80 : i32
      %mul3A_82 = arith.muli %add3A_80, %mul3A_81 : i32
      %dma_wait3A_83 = tpu.memref_slice %arg10[%mul3A_82] : memref<10000xi32, #tpu.memory_space<vmem>> -> memref<80xi32, #tpu.memory_space<vmem>>
      %dma_wait3A_84 = arith.constant 0 : i32
      %dma_wait3A_85 = arith.constant 0 : i32
      %dma_wait3A_86 = tpu.memref_slice %arg14[%dma_wait3A_84, %dma_wait3A_85] : memref<10000x64xf32, #tpu.memory_space<vmem_shared>> -> memref<10000x64xf32, #tpu.memory_space<vmem_shared>>
      tpu.wait_indirect_dma semaphore(%arg18 : memref<!tpu.dma_semaphore, #tpu.memory_space<semaphore_mem>>) src(%dma_wait3A_86 : memref<10000x64xf32, #tpu.memory_space<vmem_shared>>) dst(%arg12 : memref<80x64xf32, #tpu.memory_space<vmem>>)
      %mul3A_87 = arith.constant 80 : i32
      %mul3A_88 = arith.muli %add3A_80, %mul3A_87 : i32
      "tpu.region"() ({
        %run_scoped3A = tpu.sem_alloc : memref<!tpu.dma_semaphore, #tpu.memory_space<semaphore_mem>>
        %dma_start3A_96 = tpu.memref_slice %arg9[%mul3A_88] : memref<10000xi32, #tpu.memory_space<vmem>> -> memref<80xi32, #tpu.memory_space<vmem>>
        %dma_start3A_97 = arith.constant 0 : i32
        %dma_start3A_98 = arith.constant 0 : i32
        %dma_start3A_99 = tpu.memref_slice %arg15[%dma_start3A_97, %dma_start3A_98] : memref<10000x64xf32, #tpu.memory_space<vmem_shared>> -> memref<10000x64xf32, #tpu.memory_space<vmem_shared>>
        tpu.enqueue_indirect_dma source(%arg12 : memref<80x64xf32, #tpu.memory_space<vmem>>) target(%dma_start3A_99 : memref<10000x64xf32, #tpu.memory_space<vmem_shared>>) offsets(%dma_start3A_96 : memref<80xi32, #tpu.memory_space<vmem>>) semaphore(%run_scoped3A : memref<!tpu.dma_semaphore, #tpu.memory_space<semaphore_mem>>) {add = true}
        %dma_wait3A_100 = tpu.memref_slice %arg9[%mul3A_88] : memref<10000xi32, #tpu.memory_space<vmem>> -> memref<80xi32, #tpu.memory_space<vmem>>
        %dma_wait3A_101 = arith.constant 0 : i32
        %dma_wait3A_102 = arith.constant 0 : i32
        %dma_wait3A_103 = tpu.memref_slice %arg15[%dma_wait3A_101, %dma_wait3A_102] : memref<10000x64xf32, #tpu.memory_space<vmem_shared>> -> memref<10000x64xf32, #tpu.memory_space<vmem_shared>>
        tpu.wait_indirect_dma semaphore(%run_scoped3A : memref<!tpu.dma_semaphore, #tpu.memory_space<semaphore_mem>>) src(%arg12 : memref<80x64xf32, #tpu.memory_space<vmem>>) dst(%dma_wait3A_103 : memref<10000x64xf32, #tpu.memory_space<vmem_shared>>)
        tpu.yield
      }) : () -> ()
      "tpu.region"() ({
        %run_scoped3A = tpu.sem_alloc : memref<!tpu.dma_semaphore, #tpu.memory_space<semaphore_mem>>
        %dma_start3A_96 = tpu.memref_slice %arg9[%mul3A_88] : memref<10000xi32, #tpu.memory_space<vmem>> -> memref<80xi32, #tpu.memory_space<vmem>>
        %dma_start3A_97 = arith.constant 0 : i32
        %dma_start3A_98 = arith.constant 0 : i32
        %dma_start3A_99 = tpu.memref_slice %arg16[%dma_start3A_97, %dma_start3A_98] : memref<10000x8xf32, #tpu.memory_space<vmem_shared>> -> memref<10000x8xf32, #tpu.memory_space<vmem_shared>>
        tpu.enqueue_indirect_dma source(%arg13 : memref<80x8xf32, #tpu.memory_space<vmem>>) target(%dma_start3A_99 : memref<10000x8xf32, #tpu.memory_space<vmem_shared>>) offsets(%dma_start3A_96 : memref<80xi32, #tpu.memory_space<vmem>>) semaphore(%run_scoped3A : memref<!tpu.dma_semaphore, #tpu.memory_space<semaphore_mem>>) {add = true}
        %dma_wait3A_100 = tpu.memref_slice %arg9[%mul3A_88] : memref<10000xi32, #tpu.memory_space<vmem>> -> memref<80xi32, #tpu.memory_space<vmem>>
        %dma_wait3A_101 = arith.constant 0 : i32
        %dma_wait3A_102 = arith.constant 0 : i32
        %dma_wait3A_103 = tpu.memref_slice %arg16[%dma_wait3A_101, %dma_wait3A_102] : memref<10000x8xf32, #tpu.memory_space<vmem_shared>> -> memref<10000x8xf32, #tpu.memory_space<vmem_shared>>
        tpu.wait_indirect_dma semaphore(%run_scoped3A : memref<!tpu.dma_semaphore, #tpu.memory_space<semaphore_mem>>) src(%arg13 : memref<80x8xf32, #tpu.memory_space<vmem>>) dst(%dma_wait3A_103 : memref<10000x8xf32, #tpu.memory_space<vmem_shared>>)
        tpu.yield
      }) : () -> ()
      %add3A_89 = arith.constant 2 : i32
      %add3A_90 = arith.addi %add3A_80, %add3A_89 : i32
      %lt3A_91 = arith.constant 125 : i32
      %lt3A_92 = arith.cmpi slt, %add3A_90, %lt3A_91 : i32
      %convert_element_type3A_93 = arith.extui %lt3A_92 : i1 to i32
      %cond3A_94 = arith.constant 0 : i32
      %cond3A_95 = arith.cmpi ne, %convert_element_type3A_93, %cond3A_94 : i32
      scf.if %cond3A_95 {
        %add3A_96 = arith.constant 2 : i32
        %add3A_97 = arith.addi %add3A_80, %add3A_96 : i32
        %mul3A_98 = arith.constant 80 : i32
        %mul3A_99 = arith.muli %add3A_97, %mul3A_98 : i32
        %dma_start3A_100 = tpu.memref_slice %arg10[%mul3A_99] : memref<10000xi32, #tpu.memory_space<vmem>> -> memref<80xi32, #tpu.memory_space<vmem>>
        %dma_start3A_101 = arith.constant 0 : i32
        %dma_start3A_102 = arith.constant 0 : i32
        %dma_start3A_103 = tpu.memref_slice %arg14[%dma_start3A_101, %dma_start3A_102] : memref<10000x64xf32, #tpu.memory_space<vmem_shared>> -> memref<10000x64xf32, #tpu.memory_space<vmem_shared>>
        tpu.enqueue_indirect_dma source(%dma_start3A_103 : memref<10000x64xf32, #tpu.memory_space<vmem_shared>>) target(%arg12 : memref<80x64xf32, #tpu.memory_space<vmem>>) offsets(%dma_start3A_100 : memref<80xi32, #tpu.memory_space<vmem>>) semaphore(%arg18 : memref<!tpu.dma_semaphore, #tpu.memory_space<semaphore_mem>>)
      } else {
      }
    }
    %scan3A_53 = arith.constant 62 : i32
    %dma_wait3A_54 = arith.constant 9920 : i32
    %dma_wait3A_55 = tpu.memref_slice %arg10[%dma_wait3A_54] : memref<10000xi32, #tpu.memory_space<vmem>> -> memref<80xi32, #tpu.memory_space<vmem>>
    %dma_wait3A_56 = arith.constant 0 : i32
    %dma_wait3A_57 = arith.constant 0 : i32
    %dma_wait3A_58 = tpu.memref_slice %arg14[%dma_wait3A_56, %dma_wait3A_57] : memref<10000x64xf32, #tpu.memory_space<vmem_shared>> -> memref<10000x64xf32, #tpu.memory_space<vmem_shared>>
    tpu.wait_indirect_dma semaphore(%arg17 : memref<!tpu.dma_semaphore, #tpu.memory_space<semaphore_mem>>) src(%dma_wait3A_58 : memref<10000x64xf32, #tpu.memory_space<vmem_shared>>) dst(%arg11 : memref<80x64xf32, #tpu.memory_space<vmem>>)
    "tpu.region"() ({
      %run_scoped3A = tpu.sem_alloc : memref<!tpu.dma_semaphore, #tpu.memory_space<semaphore_mem>>
      %dma_start3A_64 = arith.constant 9920 : i32
      %dma_start3A_65 = tpu.memref_slice %arg9[%dma_start3A_64] : memref<10000xi32, #tpu.memory_space<vmem>> -> memref<80xi32, #tpu.memory_space<vmem>>
      %dma_start3A_66 = arith.constant 0 : i32
      %dma_start3A_67 = arith.constant 0 : i32
      %dma_start3A_68 = tpu.memref_slice %arg15[%dma_start3A_66, %dma_start3A_67] : memref<10000x64xf32, #tpu.memory_space<vmem_shared>> -> memref<10000x64xf32, #tpu.memory_space<vmem_shared>>
      tpu.enqueue_indirect_dma source(%arg11 : memref<80x64xf32, #tpu.memory_space<vmem>>) target(%dma_start3A_68 : memref<10000x64xf32, #tpu.memory_space<vmem_shared>>) offsets(%dma_start3A_65 : memref<80xi32, #tpu.memory_space<vmem>>) semaphore(%run_scoped3A : memref<!tpu.dma_semaphore, #tpu.memory_space<semaphore_mem>>) {add = true}
      %dma_wait3A_69 = arith.constant 9920 : i32
      %dma_wait3A_70 = tpu.memref_slice %arg9[%dma_wait3A_69] : memref<10000xi32, #tpu.memory_space<vmem>> -> memref<80xi32, #tpu.memory_space<vmem>>
      %dma_wait3A_71 = arith.constant 0 : i32
      %dma_wait3A_72 = arith.constant 0 : i32
      %dma_wait3A_73 = tpu.memref_slice %arg15[%dma_wait3A_71, %dma_wait3A_72] : memref<10000x64xf32, #tpu.memory_space<vmem_shared>> -> memref<10000x64xf32, #tpu.memory_space<vmem_shared>>
      tpu.wait_indirect_dma semaphore(%run_scoped3A : memref<!tpu.dma_semaphore, #tpu.memory_space<semaphore_mem>>) src(%arg11 : memref<80x64xf32, #tpu.memory_space<vmem>>) dst(%dma_wait3A_73 : memref<10000x64xf32, #tpu.memory_space<vmem_shared>>)
      tpu.yield
    }) : () -> ()
    "tpu.region"() ({
      %run_scoped3A = tpu.sem_alloc : memref<!tpu.dma_semaphore, #tpu.memory_space<semaphore_mem>>
      %dma_start3A_64 = arith.constant 9920 : i32
      %dma_start3A_65 = tpu.memref_slice %arg9[%dma_start3A_64] : memref<10000xi32, #tpu.memory_space<vmem>> -> memref<80xi32, #tpu.memory_space<vmem>>
      %dma_start3A_66 = arith.constant 0 : i32
      %dma_start3A_67 = arith.constant 0 : i32
      %dma_start3A_68 = tpu.memref_slice %arg16[%dma_start3A_66, %dma_start3A_67] : memref<10000x8xf32, #tpu.memory_space<vmem_shared>> -> memref<10000x8xf32, #tpu.memory_space<vmem_shared>>
      tpu.enqueue_indirect_dma source(%arg13 : memref<80x8xf32, #tpu.memory_space<vmem>>) target(%dma_start3A_68 : memref<10000x8xf32, #tpu.memory_space<vmem_shared>>) offsets(%dma_start3A_65 : memref<80xi32, #tpu.memory_space<vmem>>) semaphore(%run_scoped3A : memref<!tpu.dma_semaphore, #tpu.memory_space<semaphore_mem>>) {add = true}
      %dma_wait3A_69 = arith.constant 9920 : i32
      %dma_wait3A_70 = tpu.memref_slice %arg9[%dma_wait3A_69] : memref<10000xi32, #tpu.memory_space<vmem>> -> memref<80xi32, #tpu.memory_space<vmem>>
      %dma_wait3A_71 = arith.constant 0 : i32
      %dma_wait3A_72 = arith.constant 0 : i32
      %dma_wait3A_73 = tpu.memref_slice %arg16[%dma_wait3A_71, %dma_wait3A_72] : memref<10000x8xf32, #tpu.memory_space<vmem_shared>> -> memref<10000x8xf32, #tpu.memory_space<vmem_shared>>
      tpu.wait_indirect_dma semaphore(%run_scoped3A : memref<!tpu.dma_semaphore, #tpu.memory_space<semaphore_mem>>) src(%arg13 : memref<80x8xf32, #tpu.memory_space<vmem>>) dst(%dma_wait3A_73 : memref<10000x8xf32, #tpu.memory_space<vmem_shared>>)
      tpu.yield
    }) : () -> ()
    %barrier3A_59 = arith.constant 0 : index
    tpu.barrier barrier_id(%barrier3A_59)
    %mul3A_60 = arith.constant 64 : i32
    %mul3A_61 = arith.muli %arg0, %mul3A_60 : i32
    "tpu.region"() ({
      %run_scoped3A = tpu.sem_alloc : memref<!tpu.dma_semaphore, #tpu.memory_space<semaphore_mem>>
      %dma_start3A_64 = tpu.memref_slice %arg7[%mul3A_4, %mul3A_61] : memref<10000x128xf32, #tpu.memory_space<hbm>> -> memref<625x64xf32, #tpu.memory_space<hbm>>
      %dma_start3A_65 = arith.constant 0 : i32
      %dma_start3A_66 = tpu.memref_slice %arg15[%mul3A_4, %dma_start3A_65] : memref<10000x64xf32, #tpu.memory_space<vmem_shared>> -> memref<625x64xf32, #tpu.memory_space<vmem_shared>>
      tpu.enqueue_dma source(%dma_start3A_66 : memref<625x64xf32, #tpu.memory_space<vmem_shared>>) target(%dma_start3A_64 : memref<625x64xf32, #tpu.memory_space<hbm>>) target_semaphore(%run_scoped3A : memref<!tpu.dma_semaphore, #tpu.memory_space<semaphore_mem>>)
      %dma_wait3A_67 = tpu.memref_slice %arg7[%mul3A_4, %mul3A_61] : memref<10000x128xf32, #tpu.memory_space<hbm>> -> memref<625x64xf32, #tpu.memory_space<hbm>>
      %dma_wait3A_68 = arith.constant 0 : i32
      %dma_wait3A_69 = tpu.memref_slice %arg15[%mul3A_4, %dma_wait3A_68] : memref<10000x64xf32, #tpu.memory_space<vmem_shared>> -> memref<625x64xf32, #tpu.memory_space<vmem_shared>>
      tpu.wait_dma2 semaphore(%run_scoped3A : memref<!tpu.dma_semaphore, #tpu.memory_space<semaphore_mem>>) src(%dma_wait3A_69 : memref<625x64xf32, #tpu.memory_space<vmem_shared>>) dst(%dma_wait3A_67 : memref<625x64xf32, #tpu.memory_space<hbm>>)
      tpu.yield
    }) : () -> ()
    %mul3A_62 = arith.constant 8 : i32
    %mul3A_63 = arith.muli %arg0, %mul3A_62 : i32
    "tpu.region"() ({
      %run_scoped3A = tpu.sem_alloc : memref<!tpu.dma_semaphore, #tpu.memory_space<semaphore_mem>>
      %dma_start3A_64 = tpu.memref_slice %arg8[%mul3A_4, %mul3A_63] : memref<10000x16xf32, #tpu.memory_space<hbm>> -> memref<625x8xf32, #tpu.memory_space<hbm>>
      %dma_start3A_65 = arith.constant 0 : i32
      %dma_start3A_66 = tpu.memref_slice %arg16[%mul3A_4, %dma_start3A_65] : memref<10000x8xf32, #tpu.memory_space<vmem_shared>> -> memref<625x8xf32, #tpu.memory_space<vmem_shared>>
      tpu.enqueue_dma source(%dma_start3A_66 : memref<625x8xf32, #tpu.memory_space<vmem_shared>>) target(%dma_start3A_64 : memref<625x8xf32, #tpu.memory_space<hbm>>) target_semaphore(%run_scoped3A : memref<!tpu.dma_semaphore, #tpu.memory_space<semaphore_mem>>)
      %dma_wait3A_67 = tpu.memref_slice %arg8[%mul3A_4, %mul3A_63] : memref<10000x16xf32, #tpu.memory_space<hbm>> -> memref<625x8xf32, #tpu.memory_space<hbm>>
      %dma_wait3A_68 = arith.constant 0 : i32
      %dma_wait3A_69 = tpu.memref_slice %arg16[%mul3A_4, %dma_wait3A_68] : memref<10000x8xf32, #tpu.memory_space<vmem_shared>> -> memref<625x8xf32, #tpu.memory_space<vmem_shared>>
      tpu.wait_dma2 semaphore(%run_scoped3A : memref<!tpu.dma_semaphore, #tpu.memory_space<semaphore_mem>>) src(%dma_wait3A_69 : memref<625x8xf32, #tpu.memory_space<vmem_shared>>) dst(%dma_wait3A_67 : memref<625x8xf32, #tpu.memory_space<hbm>>)
      tpu.yield
    }) : () -> ()
    return
  }
}

#map = affine_map<(d0, d1) -> (0, 0)>
module attributes {stable_mosaic.version = 14 : i64} {
  func.func @_sc_layer2(%arg0: i32, %arg1: i32, %arg2: memref<2x320000xi32, #tpu.memory_space<hbm>>, %arg3: memref<10000x32xf32, #tpu.memory_space<hbm>>, %arg4: memref<625x32xf32, #tpu.memory_space<hbm>>, %arg5: memref<10000x64xf32, #tpu.memory_space<hbm>>, %arg6: memref<10000xi32, #tpu.memory_space<vmem>>, %arg7: memref<10000xi32, #tpu.memory_space<vmem>>, %arg8: memref<80x32xf32, #tpu.memory_space<vmem>>, %arg9: memref<80x32xf32, #tpu.memory_space<vmem>>, %arg10: memref<10000x32xf32, #tpu.memory_space<vmem_shared>>, %arg11: memref<10000x32xf32, #tpu.memory_space<vmem_shared>>, %arg12: memref<!tpu.dma_semaphore, #tpu.memory_space<semaphore_mem>>, %arg13: memref<!tpu.dma_semaphore, #tpu.memory_space<semaphore_mem>>) attributes {dimension_semantics = [#tpu.dimension_semantics<core_parallel>, #tpu.dimension_semantics<subcore_parallel>], iteration_bounds = array<i64: 2, 16>, scalar_prefetch = 0 : i64, scratch_operands = 8 : i64, tpu.core_type = #tpu.core_type<sc_vector_subcore>, window_params = [{transform_indices = #map}, {transform_indices = #map}, {transform_indices = #map}, {transform_indices = #map}]} {
    %mul3A = arith.constant 2 : i32
    %mul3A_0 = arith.muli %arg1, %mul3A : i32
    %add3A = arith.addi %mul3A_0, %arg0 : i32
    %mul3A_1 = arith.constant 10000 : i32
    %mul3A_2 = arith.muli %add3A, %mul3A_1 : i32
    %mul3A_3 = arith.constant 625 : i32
    %mul3A_4 = arith.muli %arg1, %mul3A_3 : i32
    %dma_start3A = arith.constant 0 : i32
    %dma_start3A_5 = tpu.memref_slice %arg11[%mul3A_4, %dma_start3A] : memref<10000x32xf32, #tpu.memory_space<vmem_shared>> -> memref<625x32xf32, #tpu.memory_space<vmem_shared>>
    tpu.enqueue_dma source(%arg4 : memref<625x32xf32, #tpu.memory_space<hbm>>) target(%dma_start3A_5 : memref<625x32xf32, #tpu.memory_space<vmem_shared>>) target_semaphore(%arg12 : memref<!tpu.dma_semaphore, #tpu.memory_space<semaphore_mem>>)
    %dma_start3A_6 = arith.constant 0 : i32
    %dma_start3A_7 = tpu.memref_slice %arg10[%mul3A_4, %dma_start3A_6] : memref<10000x32xf32, #tpu.memory_space<vmem_shared>> -> memref<625x32xf32, #tpu.memory_space<vmem_shared>>
    %dma_start3A_8 = arith.constant 0 : i32
    %dma_start3A_9 = tpu.memref_slice %arg3[%mul3A_4, %dma_start3A_8] : memref<10000x32xf32, #tpu.memory_space<hbm>> -> memref<625x32xf32, #tpu.memory_space<hbm>>
    tpu.enqueue_dma source(%dma_start3A_9 : memref<625x32xf32, #tpu.memory_space<hbm>>) target(%dma_start3A_7 : memref<625x32xf32, #tpu.memory_space<vmem_shared>>) target_semaphore(%arg13 : memref<!tpu.dma_semaphore, #tpu.memory_space<semaphore_mem>>)
    %dma_start3A_10 = arith.constant 0 : i32
    %dma_start3A_11 = tpu.memref_slice %arg2[%dma_start3A_10, %mul3A_2] : memref<2x320000xi32, #tpu.memory_space<hbm>> -> memref<1x10000xi32, #tpu.memory_space<hbm>>
    %dma_start3A_12 = tpu.memref_squeeze %dma_start3A_11 : memref<1x10000xi32, #tpu.memory_space<hbm>> -> memref<10000xi32, #tpu.memory_space<hbm>>
    %dma_start3A_13 = tpu.memref_slice %arg2[%dma_start3A_10, %mul3A_2] : memref<2x320000xi32, #tpu.memory_space<hbm>> -> memref<1x10000xi32, #tpu.memory_space<hbm>>
    %dma_start3A_14 = tpu.memref_squeeze %dma_start3A_13 : memref<1x10000xi32, #tpu.memory_space<hbm>> -> memref<10000xi32, #tpu.memory_space<hbm>>
    tpu.enqueue_dma source(%dma_start3A_14 : memref<10000xi32, #tpu.memory_space<hbm>>) target(%arg6 : memref<10000xi32, #tpu.memory_space<vmem>>) target_semaphore(%arg12 : memref<!tpu.dma_semaphore, #tpu.memory_space<semaphore_mem>>)
    %dma_start3A_15 = arith.constant 1 : i32
    %dma_start3A_16 = tpu.memref_slice %arg2[%dma_start3A_15, %mul3A_2] : memref<2x320000xi32, #tpu.memory_space<hbm>> -> memref<1x10000xi32, #tpu.memory_space<hbm>>
    %dma_start3A_17 = tpu.memref_squeeze %dma_start3A_16 : memref<1x10000xi32, #tpu.memory_space<hbm>> -> memref<10000xi32, #tpu.memory_space<hbm>>
    %dma_start3A_18 = tpu.memref_slice %arg2[%dma_start3A_15, %mul3A_2] : memref<2x320000xi32, #tpu.memory_space<hbm>> -> memref<1x10000xi32, #tpu.memory_space<hbm>>
    %dma_start3A_19 = tpu.memref_squeeze %dma_start3A_18 : memref<1x10000xi32, #tpu.memory_space<hbm>> -> memref<10000xi32, #tpu.memory_space<hbm>>
    tpu.enqueue_dma source(%dma_start3A_19 : memref<10000xi32, #tpu.memory_space<hbm>>) target(%arg7 : memref<10000xi32, #tpu.memory_space<vmem>>) target_semaphore(%arg13 : memref<!tpu.dma_semaphore, #tpu.memory_space<semaphore_mem>>)
    %dma_wait3A = arith.constant 0 : i32
    %dma_wait3A_20 = tpu.memref_slice %arg11[%mul3A_4, %dma_wait3A] : memref<10000x32xf32, #tpu.memory_space<vmem_shared>> -> memref<625x32xf32, #tpu.memory_space<vmem_shared>>
    tpu.wait_dma2 semaphore(%arg12 : memref<!tpu.dma_semaphore, #tpu.memory_space<semaphore_mem>>) src(%arg4 : memref<625x32xf32, #tpu.memory_space<hbm>>) dst(%dma_wait3A_20 : memref<625x32xf32, #tpu.memory_space<vmem_shared>>)
    %dma_wait3A_21 = arith.constant 0 : i32
    %dma_wait3A_22 = tpu.memref_slice %arg10[%mul3A_4, %dma_wait3A_21] : memref<10000x32xf32, #tpu.memory_space<vmem_shared>> -> memref<625x32xf32, #tpu.memory_space<vmem_shared>>
    %dma_wait3A_23 = arith.constant 0 : i32
    %dma_wait3A_24 = tpu.memref_slice %arg3[%mul3A_4, %dma_wait3A_23] : memref<10000x32xf32, #tpu.memory_space<hbm>> -> memref<625x32xf32, #tpu.memory_space<hbm>>
    tpu.wait_dma2 semaphore(%arg13 : memref<!tpu.dma_semaphore, #tpu.memory_space<semaphore_mem>>) src(%dma_wait3A_24 : memref<625x32xf32, #tpu.memory_space<hbm>>) dst(%dma_wait3A_22 : memref<625x32xf32, #tpu.memory_space<vmem_shared>>)
    %dma_wait3A_25 = arith.constant 0 : i32
    %dma_wait3A_26 = tpu.memref_slice %arg2[%dma_wait3A_25, %mul3A_2] : memref<2x320000xi32, #tpu.memory_space<hbm>> -> memref<1x10000xi32, #tpu.memory_space<hbm>>
    %dma_wait3A_27 = tpu.memref_squeeze %dma_wait3A_26 : memref<1x10000xi32, #tpu.memory_space<hbm>> -> memref<10000xi32, #tpu.memory_space<hbm>>
    %dma_wait3A_28 = tpu.memref_slice %arg2[%dma_wait3A_25, %mul3A_2] : memref<2x320000xi32, #tpu.memory_space<hbm>> -> memref<1x10000xi32, #tpu.memory_space<hbm>>
    %dma_wait3A_29 = tpu.memref_squeeze %dma_wait3A_28 : memref<1x10000xi32, #tpu.memory_space<hbm>> -> memref<10000xi32, #tpu.memory_space<hbm>>
    tpu.wait_dma2 semaphore(%arg12 : memref<!tpu.dma_semaphore, #tpu.memory_space<semaphore_mem>>) src(%dma_wait3A_29 : memref<10000xi32, #tpu.memory_space<hbm>>) dst(%arg6 : memref<10000xi32, #tpu.memory_space<vmem>>)
    %dma_wait3A_30 = arith.constant 1 : i32
    %dma_wait3A_31 = tpu.memref_slice %arg2[%dma_wait3A_30, %mul3A_2] : memref<2x320000xi32, #tpu.memory_space<hbm>> -> memref<1x10000xi32, #tpu.memory_space<hbm>>
    %dma_wait3A_32 = tpu.memref_squeeze %dma_wait3A_31 : memref<1x10000xi32, #tpu.memory_space<hbm>> -> memref<10000xi32, #tpu.memory_space<hbm>>
    %dma_wait3A_33 = tpu.memref_slice %arg2[%dma_wait3A_30, %mul3A_2] : memref<2x320000xi32, #tpu.memory_space<hbm>> -> memref<1x10000xi32, #tpu.memory_space<hbm>>
    %dma_wait3A_34 = tpu.memref_squeeze %dma_wait3A_33 : memref<1x10000xi32, #tpu.memory_space<hbm>> -> memref<10000xi32, #tpu.memory_space<hbm>>
    tpu.wait_dma2 semaphore(%arg13 : memref<!tpu.dma_semaphore, #tpu.memory_space<semaphore_mem>>) src(%dma_wait3A_34 : memref<10000xi32, #tpu.memory_space<hbm>>) dst(%arg7 : memref<10000xi32, #tpu.memory_space<vmem>>)
    %barrier3A = arith.constant 0 : index
    tpu.barrier barrier_id(%barrier3A)
    %dma_start3A_35 = arith.constant 0 : i32
    %dma_start3A_36 = tpu.memref_slice %arg7[%dma_start3A_35] : memref<10000xi32, #tpu.memory_space<vmem>> -> memref<80xi32, #tpu.memory_space<vmem>>
    %dma_start3A_37 = arith.constant 0 : i32
    %dma_start3A_38 = arith.constant 0 : i32
    %dma_start3A_39 = tpu.memref_slice %arg10[%dma_start3A_37, %dma_start3A_38] : memref<10000x32xf32, #tpu.memory_space<vmem_shared>> -> memref<10000x32xf32, #tpu.memory_space<vmem_shared>>
    tpu.enqueue_indirect_dma source(%dma_start3A_39 : memref<10000x32xf32, #tpu.memory_space<vmem_shared>>) target(%arg8 : memref<80x32xf32, #tpu.memory_space<vmem>>) offsets(%dma_start3A_36 : memref<80xi32, #tpu.memory_space<vmem>>) semaphore(%arg12 : memref<!tpu.dma_semaphore, #tpu.memory_space<semaphore_mem>>)
    %dma_start3A_40 = arith.constant 80 : i32
    %dma_start3A_41 = tpu.memref_slice %arg7[%dma_start3A_40] : memref<10000xi32, #tpu.memory_space<vmem>> -> memref<80xi32, #tpu.memory_space<vmem>>
    %dma_start3A_42 = arith.constant 0 : i32
    %dma_start3A_43 = arith.constant 0 : i32
    %dma_start3A_44 = tpu.memref_slice %arg10[%dma_start3A_42, %dma_start3A_43] : memref<10000x32xf32, #tpu.memory_space<vmem_shared>> -> memref<10000x32xf32, #tpu.memory_space<vmem_shared>>
    tpu.enqueue_indirect_dma source(%dma_start3A_44 : memref<10000x32xf32, #tpu.memory_space<vmem_shared>>) target(%arg9 : memref<80x32xf32, #tpu.memory_space<vmem>>) offsets(%dma_start3A_41 : memref<80xi32, #tpu.memory_space<vmem>>) semaphore(%arg13 : memref<!tpu.dma_semaphore, #tpu.memory_space<semaphore_mem>>)
    %scan3A = arith.constant 0 : i32
    %scan3A_45 = arith.constant 0 : i32
    %scan3A_46 = arith.constant 62 : i32
    %scan3A_47 = arith.addi %scan3A_45, %scan3A_46 : i32
    %scan3A_48 = arith.constant 1 : i32
    scf.for %scan3A_58 = %scan3A_45 to %scan3A_47 step %scan3A_48  : i32 {
      %mul3A_59 = arith.constant 2 : i32
      %mul3A_60 = arith.muli %mul3A_59, %scan3A_58 : i32
      %mul3A_61 = arith.constant 80 : i32
      %mul3A_62 = arith.muli %mul3A_60, %mul3A_61 : i32
      %dma_wait3A_63 = tpu.memref_slice %arg7[%mul3A_62] : memref<10000xi32, #tpu.memory_space<vmem>> -> memref<80xi32, #tpu.memory_space<vmem>>
      %dma_wait3A_64 = arith.constant 0 : i32
      %dma_wait3A_65 = arith.constant 0 : i32
      %dma_wait3A_66 = tpu.memref_slice %arg10[%dma_wait3A_64, %dma_wait3A_65] : memref<10000x32xf32, #tpu.memory_space<vmem_shared>> -> memref<10000x32xf32, #tpu.memory_space<vmem_shared>>
      tpu.wait_indirect_dma semaphore(%arg12 : memref<!tpu.dma_semaphore, #tpu.memory_space<semaphore_mem>>) src(%dma_wait3A_66 : memref<10000x32xf32, #tpu.memory_space<vmem_shared>>) dst(%arg8 : memref<80x32xf32, #tpu.memory_space<vmem>>)
      %mul3A_67 = arith.constant 80 : i32
      %mul3A_68 = arith.muli %mul3A_60, %mul3A_67 : i32
      "tpu.region"() ({
        %run_scoped3A = tpu.sem_alloc : memref<!tpu.dma_semaphore, #tpu.memory_space<semaphore_mem>>
        %dma_start3A_90 = tpu.memref_slice %arg6[%mul3A_68] : memref<10000xi32, #tpu.memory_space<vmem>> -> memref<80xi32, #tpu.memory_space<vmem>>
        %dma_start3A_91 = arith.constant 0 : i32
        %dma_start3A_92 = arith.constant 0 : i32
        %dma_start3A_93 = tpu.memref_slice %arg11[%dma_start3A_91, %dma_start3A_92] : memref<10000x32xf32, #tpu.memory_space<vmem_shared>> -> memref<10000x32xf32, #tpu.memory_space<vmem_shared>>
        tpu.enqueue_indirect_dma source(%arg8 : memref<80x32xf32, #tpu.memory_space<vmem>>) target(%dma_start3A_93 : memref<10000x32xf32, #tpu.memory_space<vmem_shared>>) offsets(%dma_start3A_90 : memref<80xi32, #tpu.memory_space<vmem>>) semaphore(%run_scoped3A : memref<!tpu.dma_semaphore, #tpu.memory_space<semaphore_mem>>) {add = true}
        %dma_wait3A_94 = tpu.memref_slice %arg6[%mul3A_68] : memref<10000xi32, #tpu.memory_space<vmem>> -> memref<80xi32, #tpu.memory_space<vmem>>
        %dma_wait3A_95 = arith.constant 0 : i32
        %dma_wait3A_96 = arith.constant 0 : i32
        %dma_wait3A_97 = tpu.memref_slice %arg11[%dma_wait3A_95, %dma_wait3A_96] : memref<10000x32xf32, #tpu.memory_space<vmem_shared>> -> memref<10000x32xf32, #tpu.memory_space<vmem_shared>>
        tpu.wait_indirect_dma semaphore(%run_scoped3A : memref<!tpu.dma_semaphore, #tpu.memory_space<semaphore_mem>>) src(%arg8 : memref<80x32xf32, #tpu.memory_space<vmem>>) dst(%dma_wait3A_97 : memref<10000x32xf32, #tpu.memory_space<vmem_shared>>)
        tpu.yield
      }) : () -> ()
      %add3A_69 = arith.constant 2 : i32
      %add3A_70 = arith.addi %mul3A_60, %add3A_69 : i32
      %lt3A = arith.constant 125 : i32
      %lt3A_71 = arith.cmpi slt, %add3A_70, %lt3A : i32
      %convert_element_type3A = arith.extui %lt3A_71 : i1 to i32
      %cond3A = arith.constant 0 : i32
      %cond3A_72 = arith.cmpi ne, %convert_element_type3A, %cond3A : i32
      scf.if %cond3A_72 {
        %add3A_90 = arith.constant 2 : i32
        %add3A_91 = arith.addi %mul3A_60, %add3A_90 : i32
        %mul3A_92 = arith.constant 80 : i32
        %mul3A_93 = arith.muli %add3A_91, %mul3A_92 : i32
        %dma_start3A_94 = tpu.memref_slice %arg7[%mul3A_93] : memref<10000xi32, #tpu.memory_space<vmem>> -> memref<80xi32, #tpu.memory_space<vmem>>
        %dma_start3A_95 = arith.constant 0 : i32
        %dma_start3A_96 = arith.constant 0 : i32
        %dma_start3A_97 = tpu.memref_slice %arg10[%dma_start3A_95, %dma_start3A_96] : memref<10000x32xf32, #tpu.memory_space<vmem_shared>> -> memref<10000x32xf32, #tpu.memory_space<vmem_shared>>
        tpu.enqueue_indirect_dma source(%dma_start3A_97 : memref<10000x32xf32, #tpu.memory_space<vmem_shared>>) target(%arg8 : memref<80x32xf32, #tpu.memory_space<vmem>>) offsets(%dma_start3A_94 : memref<80xi32, #tpu.memory_space<vmem>>) semaphore(%arg12 : memref<!tpu.dma_semaphore, #tpu.memory_space<semaphore_mem>>)
      } else {
      }
      %add3A_73 = arith.constant 1 : i32
      %add3A_74 = arith.addi %mul3A_60, %add3A_73 : i32
      %mul3A_75 = arith.constant 80 : i32
      %mul3A_76 = arith.muli %add3A_74, %mul3A_75 : i32
      %dma_wait3A_77 = tpu.memref_slice %arg7[%mul3A_76] : memref<10000xi32, #tpu.memory_space<vmem>> -> memref<80xi32, #tpu.memory_space<vmem>>
      %dma_wait3A_78 = arith.constant 0 : i32
      %dma_wait3A_79 = arith.constant 0 : i32
      %dma_wait3A_80 = tpu.memref_slice %arg10[%dma_wait3A_78, %dma_wait3A_79] : memref<10000x32xf32, #tpu.memory_space<vmem_shared>> -> memref<10000x32xf32, #tpu.memory_space<vmem_shared>>
      tpu.wait_indirect_dma semaphore(%arg13 : memref<!tpu.dma_semaphore, #tpu.memory_space<semaphore_mem>>) src(%dma_wait3A_80 : memref<10000x32xf32, #tpu.memory_space<vmem_shared>>) dst(%arg9 : memref<80x32xf32, #tpu.memory_space<vmem>>)
      %mul3A_81 = arith.constant 80 : i32
      %mul3A_82 = arith.muli %add3A_74, %mul3A_81 : i32
      "tpu.region"() ({
        %run_scoped3A = tpu.sem_alloc : memref<!tpu.dma_semaphore, #tpu.memory_space<semaphore_mem>>
        %dma_start3A_90 = tpu.memref_slice %arg6[%mul3A_82] : memref<10000xi32, #tpu.memory_space<vmem>> -> memref<80xi32, #tpu.memory_space<vmem>>
        %dma_start3A_91 = arith.constant 0 : i32
        %dma_start3A_92 = arith.constant 0 : i32
        %dma_start3A_93 = tpu.memref_slice %arg11[%dma_start3A_91, %dma_start3A_92] : memref<10000x32xf32, #tpu.memory_space<vmem_shared>> -> memref<10000x32xf32, #tpu.memory_space<vmem_shared>>
        tpu.enqueue_indirect_dma source(%arg9 : memref<80x32xf32, #tpu.memory_space<vmem>>) target(%dma_start3A_93 : memref<10000x32xf32, #tpu.memory_space<vmem_shared>>) offsets(%dma_start3A_90 : memref<80xi32, #tpu.memory_space<vmem>>) semaphore(%run_scoped3A : memref<!tpu.dma_semaphore, #tpu.memory_space<semaphore_mem>>) {add = true}
        %dma_wait3A_94 = tpu.memref_slice %arg6[%mul3A_82] : memref<10000xi32, #tpu.memory_space<vmem>> -> memref<80xi32, #tpu.memory_space<vmem>>
        %dma_wait3A_95 = arith.constant 0 : i32
        %dma_wait3A_96 = arith.constant 0 : i32
        %dma_wait3A_97 = tpu.memref_slice %arg11[%dma_wait3A_95, %dma_wait3A_96] : memref<10000x32xf32, #tpu.memory_space<vmem_shared>> -> memref<10000x32xf32, #tpu.memory_space<vmem_shared>>
        tpu.wait_indirect_dma semaphore(%run_scoped3A : memref<!tpu.dma_semaphore, #tpu.memory_space<semaphore_mem>>) src(%arg9 : memref<80x32xf32, #tpu.memory_space<vmem>>) dst(%dma_wait3A_97 : memref<10000x32xf32, #tpu.memory_space<vmem_shared>>)
        tpu.yield
      }) : () -> ()
      %add3A_83 = arith.constant 2 : i32
      %add3A_84 = arith.addi %add3A_74, %add3A_83 : i32
      %lt3A_85 = arith.constant 125 : i32
      %lt3A_86 = arith.cmpi slt, %add3A_84, %lt3A_85 : i32
      %convert_element_type3A_87 = arith.extui %lt3A_86 : i1 to i32
      %cond3A_88 = arith.constant 0 : i32
      %cond3A_89 = arith.cmpi ne, %convert_element_type3A_87, %cond3A_88 : i32
      scf.if %cond3A_89 {
        %add3A_90 = arith.constant 2 : i32
        %add3A_91 = arith.addi %add3A_74, %add3A_90 : i32
        %mul3A_92 = arith.constant 80 : i32
        %mul3A_93 = arith.muli %add3A_91, %mul3A_92 : i32
        %dma_start3A_94 = tpu.memref_slice %arg7[%mul3A_93] : memref<10000xi32, #tpu.memory_space<vmem>> -> memref<80xi32, #tpu.memory_space<vmem>>
        %dma_start3A_95 = arith.constant 0 : i32
        %dma_start3A_96 = arith.constant 0 : i32
        %dma_start3A_97 = tpu.memref_slice %arg10[%dma_start3A_95, %dma_start3A_96] : memref<10000x32xf32, #tpu.memory_space<vmem_shared>> -> memref<10000x32xf32, #tpu.memory_space<vmem_shared>>
        tpu.enqueue_indirect_dma source(%dma_start3A_97 : memref<10000x32xf32, #tpu.memory_space<vmem_shared>>) target(%arg9 : memref<80x32xf32, #tpu.memory_space<vmem>>) offsets(%dma_start3A_94 : memref<80xi32, #tpu.memory_space<vmem>>) semaphore(%arg13 : memref<!tpu.dma_semaphore, #tpu.memory_space<semaphore_mem>>)
      } else {
      }
    }
    %scan3A_49 = arith.constant 62 : i32
    %dma_wait3A_50 = arith.constant 9920 : i32
    %dma_wait3A_51 = tpu.memref_slice %arg7[%dma_wait3A_50] : memref<10000xi32, #tpu.memory_space<vmem>> -> memref<80xi32, #tpu.memory_space<vmem>>
    %dma_wait3A_52 = arith.constant 0 : i32
    %dma_wait3A_53 = arith.constant 0 : i32
    %dma_wait3A_54 = tpu.memref_slice %arg10[%dma_wait3A_52, %dma_wait3A_53] : memref<10000x32xf32, #tpu.memory_space<vmem_shared>> -> memref<10000x32xf32, #tpu.memory_space<vmem_shared>>
    tpu.wait_indirect_dma semaphore(%arg12 : memref<!tpu.dma_semaphore, #tpu.memory_space<semaphore_mem>>) src(%dma_wait3A_54 : memref<10000x32xf32, #tpu.memory_space<vmem_shared>>) dst(%arg8 : memref<80x32xf32, #tpu.memory_space<vmem>>)
    "tpu.region"() ({
      %run_scoped3A = tpu.sem_alloc : memref<!tpu.dma_semaphore, #tpu.memory_space<semaphore_mem>>
      %dma_start3A_58 = arith.constant 9920 : i32
      %dma_start3A_59 = tpu.memref_slice %arg6[%dma_start3A_58] : memref<10000xi32, #tpu.memory_space<vmem>> -> memref<80xi32, #tpu.memory_space<vmem>>
      %dma_start3A_60 = arith.constant 0 : i32
      %dma_start3A_61 = arith.constant 0 : i32
      %dma_start3A_62 = tpu.memref_slice %arg11[%dma_start3A_60, %dma_start3A_61] : memref<10000x32xf32, #tpu.memory_space<vmem_shared>> -> memref<10000x32xf32, #tpu.memory_space<vmem_shared>>
      tpu.enqueue_indirect_dma source(%arg8 : memref<80x32xf32, #tpu.memory_space<vmem>>) target(%dma_start3A_62 : memref<10000x32xf32, #tpu.memory_space<vmem_shared>>) offsets(%dma_start3A_59 : memref<80xi32, #tpu.memory_space<vmem>>) semaphore(%run_scoped3A : memref<!tpu.dma_semaphore, #tpu.memory_space<semaphore_mem>>) {add = true}
      %dma_wait3A_63 = arith.constant 9920 : i32
      %dma_wait3A_64 = tpu.memref_slice %arg6[%dma_wait3A_63] : memref<10000xi32, #tpu.memory_space<vmem>> -> memref<80xi32, #tpu.memory_space<vmem>>
      %dma_wait3A_65 = arith.constant 0 : i32
      %dma_wait3A_66 = arith.constant 0 : i32
      %dma_wait3A_67 = tpu.memref_slice %arg11[%dma_wait3A_65, %dma_wait3A_66] : memref<10000x32xf32, #tpu.memory_space<vmem_shared>> -> memref<10000x32xf32, #tpu.memory_space<vmem_shared>>
      tpu.wait_indirect_dma semaphore(%run_scoped3A : memref<!tpu.dma_semaphore, #tpu.memory_space<semaphore_mem>>) src(%arg8 : memref<80x32xf32, #tpu.memory_space<vmem>>) dst(%dma_wait3A_67 : memref<10000x32xf32, #tpu.memory_space<vmem_shared>>)
      tpu.yield
    }) : () -> ()
    %barrier3A_55 = arith.constant 0 : index
    tpu.barrier barrier_id(%barrier3A_55)
    %mul3A_56 = arith.constant 32 : i32
    %mul3A_57 = arith.muli %arg0, %mul3A_56 : i32
    "tpu.region"() ({
      %run_scoped3A = tpu.sem_alloc : memref<!tpu.dma_semaphore, #tpu.memory_space<semaphore_mem>>
      %dma_start3A_58 = tpu.memref_slice %arg5[%mul3A_4, %mul3A_57] : memref<10000x64xf32, #tpu.memory_space<hbm>> -> memref<625x32xf32, #tpu.memory_space<hbm>>
      %dma_start3A_59 = arith.constant 0 : i32
      %dma_start3A_60 = tpu.memref_slice %arg11[%mul3A_4, %dma_start3A_59] : memref<10000x32xf32, #tpu.memory_space<vmem_shared>> -> memref<625x32xf32, #tpu.memory_space<vmem_shared>>
      tpu.enqueue_dma source(%dma_start3A_60 : memref<625x32xf32, #tpu.memory_space<vmem_shared>>) target(%dma_start3A_58 : memref<625x32xf32, #tpu.memory_space<hbm>>) target_semaphore(%run_scoped3A : memref<!tpu.dma_semaphore, #tpu.memory_space<semaphore_mem>>)
      %dma_wait3A_61 = tpu.memref_slice %arg5[%mul3A_4, %mul3A_57] : memref<10000x64xf32, #tpu.memory_space<hbm>> -> memref<625x32xf32, #tpu.memory_space<hbm>>
      %dma_wait3A_62 = arith.constant 0 : i32
      %dma_wait3A_63 = tpu.memref_slice %arg11[%mul3A_4, %dma_wait3A_62] : memref<10000x32xf32, #tpu.memory_space<vmem_shared>> -> memref<625x32xf32, #tpu.memory_space<vmem_shared>>
      tpu.wait_dma2 semaphore(%run_scoped3A : memref<!tpu.dma_semaphore, #tpu.memory_space<semaphore_mem>>) src(%dma_wait3A_63 : memref<625x32xf32, #tpu.memory_space<vmem_shared>>) dst(%dma_wait3A_61 : memref<625x32xf32, #tpu.memory_space<hbm>>)
      tpu.yield
    }) : () -> ()
    return
  }
}

module attributes {stable_mosaic.version = 14 : i64} {
  func.func @_tc1_body(%arg0: memref<10000x128xf32, #tpu.memory_space<vmem>>, %arg1: memref<128x64xf32, #tpu.memory_space<vmem>>, %arg2: memref<1x64xf32, #tpu.memory_space<vmem>>, %arg3: memref<1x64xf32, #tpu.memory_space<vmem>>, %arg4: memref<10000x64xf32, #tpu.memory_space<vmem>>) attributes {dimension_semantics = [], scalar_prefetch = 0 : i64, scratch_operands = 0 : i64, tpu.core_type = #tpu.core_type<tc>} {
    %get3A = arith.constant 0 : index
    %get3A_0 = arith.constant 0 : index
    %get3A_1 = vector.load %arg2[%get3A, %get3A_0] : memref<1x64xf32, #tpu.memory_space<vmem>>, vector<1x64xf32>
    %get3A_2 = arith.constant 0 : index
    %get3A_3 = arith.constant 0 : index
    %get3A_4 = vector.load %arg3[%get3A_2, %get3A_3] : memref<1x64xf32, #tpu.memory_space<vmem>>, vector<1x64xf32>
    %add3A = arith.constant 1.000000e-03 : f32
    %add3A_5 = vector.broadcast %add3A : f32 to vector<1x64xf32>
    %add3A_6 = arith.addf %get3A_4, %add3A_5 : vector<1x64xf32>
    %rsqrt3A = math.rsqrt %add3A_6 : vector<1x64xf32>
    %mul3A = arith.mulf %get3A_1, %rsqrt3A : vector<1x64xf32>
    %get3A_7 = arith.constant 0 : index
    %get3A_8 = arith.constant 0 : index
    %get3A_9 = vector.load %arg0[%get3A_7, %get3A_8] : memref<10000x128xf32, #tpu.memory_space<vmem>>, vector<10000x128xf32>
    %get3A_10 = arith.constant 0 : index
    %get3A_11 = arith.constant 0 : index
    %get3A_12 = vector.load %arg1[%get3A_10, %get3A_11] : memref<128x64xf32, #tpu.memory_space<vmem>>, vector<128x64xf32>
    %mul3A_13 = vector.broadcast %mul3A : vector<1x64xf32> to vector<128x64xf32>
    %mul3A_14 = arith.mulf %get3A_12, %mul3A_13 : vector<128x64xf32>
    %dot_general3A = arith.constant dense<0.000000e+00> : vector<10000x64xf32>
    %dot_general3A_15 = tpu.matmul %get3A_9, %mul3A_14, %dot_general3A {dimension_numbers = #tpu.dot_dimension_numbers<[1], [0], [0], [1], [0, 0, 1, 1], [], []>, transpose_lhs_hint = false} : vector<10000x128xf32>, vector<128x64xf32>, vector<10000x64xf32> -> vector<10000x64xf32>
    %swap3A = arith.constant 0 : index
    %swap3A_16 = arith.constant 0 : index
    %swap3A_17 = vector.load %arg4[%swap3A, %swap3A_16] : memref<10000x64xf32, #tpu.memory_space<vmem>>, vector<10000x64xf32>
    tpu.vector_store %arg4[%swap3A, %swap3A_16], %dot_general3A_15 {strides = array<i32>} : memref<10000x64xf32, #tpu.memory_space<vmem>>, vector<10000x64xf32>,
    return
  }
}

module attributes {stable_mosaic.version = 14 : i64} {
  func.func @_tc2_body(%arg0: memref<10000x128xf32, #tpu.memory_space<vmem>>, %arg1: memref<10000x16xf32, #tpu.memory_space<vmem>>, %arg2: memref<64x32xf32, #tpu.memory_space<vmem>>, %arg3: memref<1x64xf32, #tpu.memory_space<vmem>>, %arg4: memref<1x64xf32, #tpu.memory_space<vmem>>, %arg5: memref<1x64xf32, #tpu.memory_space<vmem>>, %arg6: memref<1x64xf32, #tpu.memory_space<vmem>>, %arg7: memref<1x32xf32, #tpu.memory_space<vmem>>, %arg8: memref<1x32xf32, #tpu.memory_space<vmem>>, %arg9: memref<10000x32xf32, #tpu.memory_space<vmem>>) attributes {dimension_semantics = [], scalar_prefetch = 0 : i64, scratch_operands = 0 : i64, tpu.core_type = #tpu.core_type<tc>} {
    %get3A = arith.constant 0 : index
    %get3A_0 = arith.constant 0 : index
    %get3A_1 = vector.load %arg0[%get3A, %get3A_0] : memref<10000x128xf32, #tpu.memory_space<vmem>>, vector<10000x64xf32>
    %get3A_2 = arith.constant 0 : index
    %get3A_3 = arith.constant 64 : index
    %get3A_4 = vector.load %arg0[%get3A_2, %get3A_3] : memref<10000x128xf32, #tpu.memory_space<vmem>>, vector<10000x64xf32>
    %add3A = arith.addf %get3A_1, %get3A_4 : vector<10000x64xf32>
    %get3A_5 = arith.constant 0 : index
    %get3A_6 = arith.constant 0 : index
    %get3A_7 = vector.load %arg1[%get3A_5, %get3A_6] : memref<10000x16xf32, #tpu.memory_space<vmem>>, vector<10000x1xf32>
    %get3A_8 = arith.constant 0 : index
    %get3A_9 = arith.constant 8 : index
    %get3A_10 = vector.load %arg1[%get3A_8, %get3A_9] : memref<10000x16xf32, #tpu.memory_space<vmem>>, vector<10000x1xf32>
    %add3A_11 = arith.addf %get3A_7, %get3A_10 : vector<10000x1xf32>
    %gt3A = arith.constant 0.000000e+00 : f32
    %gt3A_12 = vector.broadcast %gt3A : f32 to vector<10000x1xf32>
    %gt3A_13 = arith.cmpf ogt, %add3A_11, %gt3A_12 : vector<10000x1xf32>
    %div3A = arith.constant 1.000000e+00 : f32
    %div3A_14 = vector.broadcast %div3A : f32 to vector<10000x1xf32>
    %div3A_15 = arith.divf %div3A_14, %add3A_11 : vector<10000x1xf32>
    %jit3A = arith.constant 0.000000e+00 : f32
    %broadcast_in_dim3A = vector.broadcast %jit3A : f32 to vector<10000x1xf32>
    %select_n3A = arith.select %gt3A_13, %div3A_15, %broadcast_in_dim3A : vector<10000x1xi1>, vector<10000x1xf32>
    %get3A_16 = arith.constant 0 : index
    %get3A_17 = arith.constant 0 : index
    %get3A_18 = vector.load %arg3[%get3A_16, %get3A_17] : memref<1x64xf32, #tpu.memory_space<vmem>>, vector<1x64xf32>
    %get3A_19 = arith.constant 0 : index
    %get3A_20 = arith.constant 0 : index
    %get3A_21 = vector.load %arg6[%get3A_19, %get3A_20] : memref<1x64xf32, #tpu.memory_space<vmem>>, vector<1x64xf32>
    %add3A_22 = arith.constant 1.000000e-03 : f32
    %add3A_23 = vector.broadcast %add3A_22 : f32 to vector<1x64xf32>
    %add3A_24 = arith.addf %get3A_21, %add3A_23 : vector<1x64xf32>
    %rsqrt3A = math.rsqrt %add3A_24 : vector<1x64xf32>
    %mul3A = arith.mulf %get3A_18, %rsqrt3A : vector<1x64xf32>
    %get3A_25 = arith.constant 0 : index
    %get3A_26 = arith.constant 0 : index
    %get3A_27 = vector.load %arg4[%get3A_25, %get3A_26] : memref<1x64xf32, #tpu.memory_space<vmem>>, vector<1x64xf32>
    %get3A_28 = arith.constant 0 : index
    %get3A_29 = arith.constant 0 : index
    %get3A_30 = vector.load %arg5[%get3A_28, %get3A_29] : memref<1x64xf32, #tpu.memory_space<vmem>>, vector<1x64xf32>
    %mul3A_31 = arith.mulf %get3A_30, %mul3A : vector<1x64xf32>
    %sub3A = arith.subf %get3A_27, %mul3A_31 : vector<1x64xf32>
    %mul3A_32 = vector.broadcast %select_n3A : vector<10000x1xf32> to vector<10000x64xf32>
    %mul3A_33 = arith.mulf %add3A, %mul3A_32 : vector<10000x64xf32>
    %add3A_34 = vector.broadcast %sub3A : vector<1x64xf32> to vector<10000x64xf32>
    %add3A_35 = arith.addf %mul3A_33, %add3A_34 : vector<10000x64xf32>
    %max3A = arith.constant 0.000000e+00 : f32
    %max3A_36 = vector.broadcast %max3A : f32 to vector<10000x64xf32>
    %max3A_37 = arith.maximumf %add3A_35, %max3A_36 : vector<10000x64xf32>
    %get3A_38 = arith.constant 0 : index
    %get3A_39 = arith.constant 0 : index
    %get3A_40 = vector.load %arg7[%get3A_38, %get3A_39] : memref<1x32xf32, #tpu.memory_space<vmem>>, vector<1x32xf32>
    %get3A_41 = arith.constant 0 : index
    %get3A_42 = arith.constant 0 : index
    %get3A_43 = vector.load %arg8[%get3A_41, %get3A_42] : memref<1x32xf32, #tpu.memory_space<vmem>>, vector<1x32xf32>
    %add3A_44 = arith.constant 1.000000e-03 : f32
    %add3A_45 = vector.broadcast %add3A_44 : f32 to vector<1x32xf32>
    %add3A_46 = arith.addf %get3A_43, %add3A_45 : vector<1x32xf32>
    %rsqrt3A_47 = math.rsqrt %add3A_46 : vector<1x32xf32>
    %mul3A_48 = arith.mulf %get3A_40, %rsqrt3A_47 : vector<1x32xf32>
    %get3A_49 = arith.constant 0 : index
    %get3A_50 = arith.constant 0 : index
    %get3A_51 = vector.load %arg2[%get3A_49, %get3A_50] : memref<64x32xf32, #tpu.memory_space<vmem>>, vector<64x32xf32>
    %mul3A_52 = vector.broadcast %mul3A_48 : vector<1x32xf32> to vector<64x32xf32>
    %mul3A_53 = arith.mulf %get3A_51, %mul3A_52 : vector<64x32xf32>
    %dot_general3A = arith.constant dense<0.000000e+00> : vector<10000x32xf32>
    %dot_general3A_54 = tpu.matmul %max3A_37, %mul3A_53, %dot_general3A {dimension_numbers = #tpu.dot_dimension_numbers<[1], [0], [0], [1], [0, 0, 1, 1], [], []>, transpose_lhs_hint = false} : vector<10000x64xf32>, vector<64x32xf32>, vector<10000x32xf32> -> vector<10000x32xf32>
    %swap3A = arith.constant 0 : index
    %swap3A_55 = arith.constant 0 : index
    %swap3A_56 = vector.load %arg9[%swap3A, %swap3A_55] : memref<10000x32xf32, #tpu.memory_space<vmem>>, vector<10000x32xf32>
    tpu.vector_store %arg9[%swap3A, %swap3A_55], %dot_general3A_54 {strides = array<i32>} : memref<10000x32xf32, #tpu.memory_space<vmem>>, vector<10000x32xf32>,
    return
  }
}

module attributes {stable_mosaic.version = 14 : i64} {
  func.func @_tc3_body(%arg0: memref<10000x64xf32, #tpu.memory_space<vmem>>, %arg1: memref<10000x16xf32, #tpu.memory_space<vmem>>, %arg2: memref<1x32xf32, #tpu.memory_space<vmem>>, %arg3: memref<1x32xf32, #tpu.memory_space<vmem>>, %arg4: memref<1x32xf32, #tpu.memory_space<vmem>>, %arg5: memref<1x32xf32, #tpu.memory_space<vmem>>, %arg6: memref<10000x32xf32, #tpu.memory_space<vmem>>) attributes {dimension_semantics = [], scalar_prefetch = 0 : i64, scratch_operands = 0 : i64, tpu.core_type = #tpu.core_type<tc>} {
    %get3A = arith.constant 0 : index
    %get3A_0 = arith.constant 0 : index
    %get3A_1 = vector.load %arg0[%get3A, %get3A_0] : memref<10000x64xf32, #tpu.memory_space<vmem>>, vector<10000x32xf32>
    %get3A_2 = arith.constant 0 : index
    %get3A_3 = arith.constant 32 : index
    %get3A_4 = vector.load %arg0[%get3A_2, %get3A_3] : memref<10000x64xf32, #tpu.memory_space<vmem>>, vector<10000x32xf32>
    %add3A = arith.addf %get3A_1, %get3A_4 : vector<10000x32xf32>
    %get3A_5 = arith.constant 0 : index
    %get3A_6 = arith.constant 0 : index
    %get3A_7 = vector.load %arg1[%get3A_5, %get3A_6] : memref<10000x16xf32, #tpu.memory_space<vmem>>, vector<10000x1xf32>
    %get3A_8 = arith.constant 0 : index
    %get3A_9 = arith.constant 8 : index
    %get3A_10 = vector.load %arg1[%get3A_8, %get3A_9] : memref<10000x16xf32, #tpu.memory_space<vmem>>, vector<10000x1xf32>
    %add3A_11 = arith.addf %get3A_7, %get3A_10 : vector<10000x1xf32>
    %gt3A = arith.constant 0.000000e+00 : f32
    %gt3A_12 = vector.broadcast %gt3A : f32 to vector<10000x1xf32>
    %gt3A_13 = arith.cmpf ogt, %add3A_11, %gt3A_12 : vector<10000x1xf32>
    %div3A = arith.constant 1.000000e+00 : f32
    %div3A_14 = vector.broadcast %div3A : f32 to vector<10000x1xf32>
    %div3A_15 = arith.divf %div3A_14, %add3A_11 : vector<10000x1xf32>
    %jit3A = arith.constant 0.000000e+00 : f32
    %broadcast_in_dim3A = vector.broadcast %jit3A : f32 to vector<10000x1xf32>
    %select_n3A = arith.select %gt3A_13, %div3A_15, %broadcast_in_dim3A : vector<10000x1xi1>, vector<10000x1xf32>
    %get3A_16 = arith.constant 0 : index
    %get3A_17 = arith.constant 0 : index
    %get3A_18 = vector.load %arg2[%get3A_16, %get3A_17] : memref<1x32xf32, #tpu.memory_space<vmem>>, vector<1x32xf32>
    %get3A_19 = arith.constant 0 : index
    %get3A_20 = arith.constant 0 : index
    %get3A_21 = vector.load %arg5[%get3A_19, %get3A_20] : memref<1x32xf32, #tpu.memory_space<vmem>>, vector<1x32xf32>
    %add3A_22 = arith.constant 1.000000e-03 : f32
    %add3A_23 = vector.broadcast %add3A_22 : f32 to vector<1x32xf32>
    %add3A_24 = arith.addf %get3A_21, %add3A_23 : vector<1x32xf32>
    %rsqrt3A = math.rsqrt %add3A_24 : vector<1x32xf32>
    %mul3A = arith.mulf %get3A_18, %rsqrt3A : vector<1x32xf32>
    %get3A_25 = arith.constant 0 : index
    %get3A_26 = arith.constant 0 : index
    %get3A_27 = vector.load %arg3[%get3A_25, %get3A_26] : memref<1x32xf32, #tpu.memory_space<vmem>>, vector<1x32xf32>
    %get3A_28 = arith.constant 0 : index
    %get3A_29 = arith.constant 0 : index
    %get3A_30 = vector.load %arg4[%get3A_28, %get3A_29] : memref<1x32xf32, #tpu.memory_space<vmem>>, vector<1x32xf32>
    %mul3A_31 = arith.mulf %get3A_30, %mul3A : vector<1x32xf32>
    %sub3A = arith.subf %get3A_27, %mul3A_31 : vector<1x32xf32>
    %mul3A_32 = vector.broadcast %select_n3A : vector<10000x1xf32> to vector<10000x32xf32>
    %mul3A_33 = arith.mulf %add3A, %mul3A_32 : vector<10000x32xf32>
    %add3A_34 = vector.broadcast %sub3A : vector<1x32xf32> to vector<10000x32xf32>
    %add3A_35 = arith.addf %mul3A_33, %add3A_34 : vector<10000x32xf32>
    %swap3A = arith.constant 0 : index
    %swap3A_36 = arith.constant 0 : index
    %swap3A_37 = vector.load %arg6[%swap3A, %swap3A_36] : memref<10000x32xf32, #tpu.memory_space<vmem>>, vector<10000x32xf32>
    tpu.vector_store %arg6[%swap3A, %swap3A_36], %add3A_35 {strides = array<i32>} : memref<10000x32xf32, #tpu.memory_space<vmem>>, vector<10000x32xf32>,
    return
  }
}

</mosaic_0001>

<sc_bundles>
// kernel: kernel.10.cloned.1.call-start
scs
__scs_entry_jumppad:
0x0: {  	(pc) =	sbr.rel $0x88, $3  }
0x1: {  	(tag) =	ssettag $0x0;
	lr =	simm.s32 $0x1  }
0x2: {  	[smem:$0x3F95] =	sst lr;
	_ =	strace $0xD0000000  }
0x3: {  	_ = 	snop  }
0x4: {  	_ = 	snop  }
0x5: {  	_ = 	snop  }
0x6: {  	_ = 	snop  }
0x7: {  	_ = 	snop  }
__scs_overlays_trampoline_lowered:
0x8: {  	[smem:$0x3FA4] =	sst s0  }
0x9: {  	[smem:$0x3FA5] =	sst s1  }
0xa: {  	[smem:$0x3FA6] =	sst s2  }
0xb: {  	[smem:$0x3FA7] =	sst s3  }
0xc: {  	[smem:$0x3FA8] =	sst s4  }
0xd: {  	[smem:$0x3FA9] =	sst s5  }
0xe: {  	[smem:$0x3FAA] =	sst s6  }
0xf: {  	[smem:$0x3FAB] =	sst s7  }
0x10: {  	[smem:$0x3FAC] =	sst s8  }
0x11: {  	[smem:$0x3FAD] =	sst s9;
	s0 =	simm.s32 @!p0 $0x0  }
0x12: {  	s1 =	sld [smem:$0x3F93];
	s0 =	simm.s32 @p0 $0x1  }
0x13: {  	[smem:$0x3FAE] =	sst s0;
	s0 =	simm.s32 @!p1 $0x0  }
0x14: {  	s2 =	sld [smem:$0x3F92];
	s0 =	simm.s32 @p1 $0x1  }
0x15: {  	[smem:$0x3FAF] =	sst s0;
	s0 =	simm.s32 @!p2 $0x0  }
0x16: {  	s3 =	sld [smem:$0x3FDB];
	s0 =	simm.s32 @p2 $0x1  }
0x17: {  	s4 =	simm.s32 $0x1BF5;
	[smem:$0x3FB1] =	sst s0  }
0x18: {  	s0 =	sld [smem:$0x3F94];
	_ =	swait.ge [sflag:s4], $0x0  }
0x19: {  	s7 =	sld [smem:$0x3F95]  }
0x1a: {  	s8 =	sadd.s32 $0xFFFFE003, lr  }
0x1b: {  	s9 =	sadd.s32 $0xFFFFFEF7, lr;
	s5 =	simm.s32 $0xFFFFFFFF;
	p2 =	slt.u32 s8, $0xFFFFF086  }
0x1c: {  	p1 =	slt.u32 s9, $0xF7A;
	s5 =	simm.s32 @!p2 $0x0  }
0x1d: {  	s5 =	simm.s32 @p1 $0x1;
	p0 =	seq.s32 s7, s2  }
0x1e: {  	s7 =	smul.u32 @!p0 $0xF7A, s2;
	p2 =	seq.s32 @!p0 s5, $0x0  }
0x1f: {  	s9 =	smul.u32 $0xF7A, s1;
	s8 =	simm.s32 @!p0 $0x1BF5;
	p2 =	por !p2, p0  }
0x20: {  	[sflag:s8] =	ssyncset.s32 @!p0 $0xFFFFF086;
	s6 =	sadd.s32 @!p0 s3, s7;
	s7 =	simm.s32 @!p0 $0x108  }
0x21: {  	s3 =	sadd.s32 s3, s9;
	s6 =	sadd.s32 @!p0 $0x88, s6;
	s7 =	simm.s32 @p2 $0x1082  }
0x22: {  	[simem:s7], [sflag:s8] =	dma.local @!p0 [hbm:s6], $0xF7A  }
0x23: {  	s9 =	sor.u32 $0xD0000000, s2;
	s6 =	simm.s32 $0x108;
	_ =	swait.ge @!p0 [sflag:s8], $0x0  }
0x24: {  	s3 =	sadd.s32 $0x88, s3;
	s6 =	simm.s32 @!p1 $0x1082;
	[sflag:s4] =	ssyncset.s32 $0xFFFFF086  }
0x25: {  	[simem:s6], [sflag:s4] =	dma.local [hbm:s3], $0xF7A  }
0x26: {  	[smem:$0x3F95] =	sst s1;
	(tag) =	ssettag s2;
	_ =	strace s9  }
0x27: {  	s1 =	sld [smem:$0x3FA5]  }
0x28: {  	s2 =	sld [smem:$0x3FA6]  }
0x29: {  	s4 =	sld [smem:$0x3FA8]  }
0x2a: {  	p0 =	seq.s32 s5, $0x0;
	s5 =	sld [smem:$0x3FA9]  }
0x2b: {  	s6 =	sld [smem:$0x3FAA]  }
0x2c: {  	s7 =	sld [smem:$0x3FAB]  }
0x2d: {  	s3 =	simm.s32 $0x108;
	s8 =	sld [smem:$0x3FAC]  }
0x2e: {  	s3 =	simm.s32 @!p0 $0x1082;
	s9 =	sld [smem:$0x3FAD]  }
0x2f: {  	lr =	sadd.s32 s0, s3;
	s0 =	sld [smem:$0x3FA4]  }
0x30: {  	s3 =	sld [smem:$0x3FA7]  }
0x31: {  	[smem:$0x3FB0] =	sst s10  }
0x32: {  	s10 =	sld [smem:$0x3FAE];
	_ =	sdelay $0x3  }
0x33: {  	p0 =	seq.s32 s10, $0x1;
	s10 =	sld [smem:$0x3FB0];
	_ =	sdelay $0x3  }
0x34: {  	[smem:$0x3FB0] =	sst s10  }
0x35: {  	s10 =	sld [smem:$0x3FAF];
	_ =	sdelay $0x3  }
0x36: {  	p1 =	seq.s32 s10, $0x1;
	s10 =	sld [smem:$0x3FB0];
	_ =	sdelay $0x3  }
0x37: {  	[smem:$0x3FB0] =	sst s10  }
0x38: {  	s10 =	sld [smem:$0x3FB1]  }
0x39: {  	_ = 	snop;
	(pc) =	sbr.ind lr, $3  }
0x3a: {  	_ = 	snop  }
0x3b: {  	_ = 	snop  }
0x3c: {  	p2 =	seq.s32 s10, $0x1;
	s10 =	sld [smem:$0x3FB0]  }
0x3d: {  	_ =	shalt  }
0x3e: {  	_ =	shalt  }
0x3f: {  	_ =	shalt  }
0x40: {  	_ =	shalt  }
0x41: {  	_ =	shalt  }
0x42: {  	_ =	shalt  }
0x43: {  	_ =	shalt  }
0x44: {  	_ =	shalt  }
0x45: {  	_ =	shalt  }
0x46: {  	_ =	shalt  }
0x47: {  	_ =	shalt  }
0x48: {  	_ =	shalt  }
0x49: {  	_ =	shalt  }
0x4a: {  	_ =	shalt  }
0x4b: {  	_ =	shalt  }
0x4c: {  	_ =	shalt  }
0x4d: {  	_ =	shalt  }
0x4e: {  	_ =	shalt  }
0x4f: {  	_ =	shalt  }
0x50: {  	_ =	shalt  }
0x51: {  	_ =	shalt  }
0x52: {  	_ =	shalt  }
0x53: {  	_ =	shalt  }
0x54: {  	_ =	shalt  }
0x55: {  	_ =	shalt  }
0x56: {  	_ =	shalt  }
0x57: {  	_ =	shalt  }
0x58: {  	_ =	shalt  }
0x59: {  	_ =	shalt  }
0x5a: {  	_ =	shalt  }
0x5b: {  	_ =	shalt  }
0x5c: {  	_ =	shalt  }
0x5d: {  	_ =	shalt  }
0x5e: {  	_ =	shalt  }
0x5f: {  	_ =	shalt  }
0x60: {  	_ =	shalt  }
0x61: {  	_ =	shalt  }
0x62: {  	_ =	shalt  }
0x63: {  	_ =	shalt  }
0x64: {  	_ =	shalt  }
0x65: {  	_ =	shalt  }
0x66: {  	_ =	shalt  }
0x67: {  	_ =	shalt  }
0x68: {  	_ =	shalt  }
0x69: {  	_ =	shalt  }
0x6a: {  	_ =	shalt  }
0x6b: {  	_ =	shalt  }
0x6c: {  	_ =	shalt  }
0x6d: {  	_ =	shalt  }
0x6e: {  	_ =	shalt  }
0x6f: {  	_ =	shalt  }
0x70: {  	_ =	shalt  }
0x71: {  	_ =	shalt  }
0x72: {  	_ =	shalt  }
0x73: {  	_ =	shalt  }
0x74: {  	_ =	shalt  }
0x75: {  	_ =	shalt  }
0x76: {  	_ =	shalt  }
0x77: {  	_ =	shalt  }
0x78: {  	_ =	shalt  }
0x79: {  	_ =	shalt  }
0x7a: {  	_ =	shalt  }
0x7b: {  	_ =	shalt  }
0x7c: {  	_ =	shalt  }
0x7d: {  	_ =	shalt  }
0x7e: {  	_ =	shalt  }
0x7f: {  	_ =	shalt  }
0x80: {  	_ =	shalt  }
0x81: {  	_ =	shalt  }
0x82: {  	_ =	shalt  }
0x83: {  	_ =	shalt  }
0x84: {  	_ =	shalt  }
0x85: {  	_ =	shalt  }
0x86: {  	_ =	shalt  }
0x87: {  	_ =	shalt  }
.Lfunc_end0:
.L_simem_size_0:
called_computation.1_lowered:
.L_overlay_start_0:
0x88: {  	s2 =	sld [smem:$0x3FD9]  }
0x89: {  	s3 =	sld [smem:$0x3FFE];
	_ =	sdelay $0x1  }
0x8a: {  	s1 =	srdreg.scid  }
0x8b: {  	s0 =	sand.u32 $0x1, s1  }
0x8c: {  	s17 =	sshll.u32 s0, $0xA;
	s2 =	sadd.s32 s3, s2  }
0x8d: {  	s2 =	sadd.s32 s2, s17  }
0x8e: {  	[smem:$0x3FBC] =	sst s2  }
0x8f: {  	_ = 	snop  }
0x90: {  	s2 =	sld [smem:$0x3FD0];
	(tm) =	ssettm $0x1  }
0x91: {  	s18 =	sld [smem:$0x3FFB];
	_ =	sdelay $0x3  }
0x92: {  	_ =	strace s18  }
0x93: {  	s3 =	sld [smem:$0x3FFC];
	_ =	sdelay $0x3  }
0x94: {  	_ =	strace s3  }
0x95: {  	s3 =	sld [smem:$0x3FFD];
	_ =	sdelay $0x3  }
0x96: {  	_ =	strace s3  }
0x97: {  	_ =	strace $0x8FFFFFFF  }
0x98: {  	s19 =	sld [smem:$0x3FDB];
	_ =	sdelay $0x1  }
0x99: {  	s4 =	simm.s32 $_scs_section_size  }
0x9a: {  	s5 =	simm.s32 $_size__tile_overlayer_lowered;
	s6 =	simm.s32 $_tile_overlayer_lowered  }
0x9b: {  	s22 =	simm.s32 $0x1BFF;
	s21 =	sshll.u32 s6, $0x1;
	s3 =	sadd.s32 s4, s19  }
0x9c: {  	s7 =	simm.s32 $0x0;
	s20 =	sshll.u32 s5, $0x1;
	s5 =	sadd.s32 s21, s3  }
0x9d: {  	[timem:s7], [sflag:s22] =	dma.local [hbm:s5], s20  }
0x9e: {  	_ =	swait.ge [sflag:s22], s20  }
0x9f: {  	s4 =	ssub.s32 $0x0, s20;
	[sflag:s22] =	ssyncset.done $0x0  }
0xa0: {  	[sflag:s22] =	ssyncadd.s32 s4;
	_ =	sdelay $0x1  }
0xa1: {  	s23 =	simm.s32 $0x1B8B  }
0xa2: {  	_ =	swait.ge [sflag:s23], $0x1  }
0xa3: {  	[sflag:s23] =	ssyncset.done $0x0  }
0xa4: {  	s25 =	simm.s32 $0x1B8E;
	s24 =	sld [smem:$0x3FFE];
	[sflag:s23] =	ssyncadd.s32 $0xFFFFFFFF  }
0xa5: {  	s26 =	simm.s32 $execute0_lowered;
	[smem:$0x3FD2] =	sst s25  }
0xa6: {  	s5 =	sshll.u32 s26, $0x1;
	_ =	strace $0x80000049;
	[dreg:$0x1] =	wrdreg $0xFFFFFFFF  }
0xa7: {  	s28 =	simm.s32 $_size_execute0_lowered;
	s3 =	sadd.s32 s3, s5;
	[dreg:$0x0] =	wrdreg $0x0  }
0xa8: {  	s5 =	sshll.u32 s28, $0x1;
	[dreg:$0x2] =	wrdreg s3  }
0xa9: {  	[dreg:$0x3] =	wrdreg s5  }
0xaa: {  	[dreg:$0x4] =	wrdreg $0xC0  }
0xab: {  	_ =	task [dreg:s7], $0x5FFFF  }
0xac: {  	[dreg:$0x1] =	wrdreg $0xFFFFFFFF  }
0xad: {  	[dreg:$0x0] =	wrdreg $0x60  }
0xae: {  	[dreg:$0x2] =	wrdreg s24  }
0xaf: {  	[dreg:$0x3] =	wrdreg s2  }
0xb0: {  	[dreg:$0x4] =	wrdreg $0xB0400  }
0xb1: {  	[dreg:$0x5] =	wrdreg $0x62200  }
0xb2: {  	[dreg:$0x6] =	wrdreg $0x9  }
0xb3: {  	_ =	task.clear_ibuf [dreg:s7], $0x7FFFF;
	_ =	strace $0x90000049  }
0xb4: {  	s29 =	simm.s32 $0x9;
	_ =	strace $0x8000004B  }
0xb5: {  	_ =	swait.ge [sflag:s29], $0x1  }
0xb6: {  	[sflag:s29] =	ssyncadd.s32 $0xFFFFFFFF  }
0xb7: {  	_ =	strace $0x9000004B  }
0xb8: {  	_ =	sfence  }
0xb9: {  	s30 =	sld [smem:$0x0];
	_ =	sdelay $0x2  }
0xba: {  	s31 =	sshll.u32 s1, $0xD;
	s1 =	sshrl.u32 s1, $0x2  }
0xbb: {  	s3 =	sand.u32 $0x4000, s31;
	s1 =	sadd.s32 s1, s30  }
0xbc: {  	s0 =	sor.u32 s3, s0;
	s1 =	sshll.u32 s1, $0x11  }
0xbd: {  	s0 =	sor.u32 s1, s0  }
0xbe: {  	s0 =	sadd.s32 $0x8F2B, s0  }
0xbf: {  	[sflag:s0] =	ssyncadd.remote.s32 $0x1  }
0xc0: {  	_ =	sfence.sel $0xFFFF  }
0xc1: {  	[dreg:$0x0] =	wrdreg $0xFFFFFFFF;
	(pc) =	sbr.abs _section_cstart, $3  }
0xc2: {  	[dreg:$0x1] =	wrdreg $0xFFFFFFFF  }
0xc3: {  	_ =	task.clear_ibuf [dreg:s7], $0x2FFFF;
	_ =	strace $0x9FFFFFFF  }
0xc4: {  	(tm) =	ssettm $0x7FFFFFFF  }
0xc5: {  	_ =	shalt  }
tec
execute0_lowered:
.L_overlay_start_1:
0x0: {  	(tag) =	ssettag $0x1  }
0x1: {  	s0 =	rddreg [dreg:$0x0];
	s1 =	srdreg.scid  }
0x2: {  	s11 =	stileid.u32;
	s8 =	rddreg [dreg:$0x1]  }
0x3: {  	s2 =	rddreg [dreg:$0x2];
	s16 =	simm.s32 $0x2710;
	s17 =	simm.s32 $0x1  }
0x4: {  	s18 =	simm.s32 $0x2;
	s19 =	simm.s32 $0x50;
	s20 =	simm.s32 $0x4E20  }
0x5: {  	s22 =	simm.s32 $0x5820;
	s23 =	simm.s32 $0x3;
	s24 =	simm.s32 $0x2620  }
0x6: {  	s28 =	simm.s32 $0x26C0;
	s29 =	simm.s32 $0x8;
	s30 =	simm.s32 $0x4  }
0x7: {  	s1 =	sand.u32 $0x1, s1;
	s3 =	sshll.u32 s11, $0x1;
	s6 =	smul.u32 $0x9C40, s11  }
0x8: {  	s31 =	simm.s32 $0x0;
	s9 =	smul.u32 $0x4E20, s11;
	s4 =	sor.u32 s1, s3  }
0x9: {  	s3 =	rddreg [dreg:$0x3];
	s7 =	sshll.u32 s1, $0x5;
	s1 =	ssub.s32 $0x2, s1  }
0xa: {  	s5 =	smul.u32 $0x2710, s4;
	s4 =	simm.s32 $0x0;
	s6 =	sor.u32 s7, s6  }
0xb: {  	s25 =	sshrl.u32 s1, $0x1;
	s13 =	sadd.s32 s9, s2;
	s26 =	sshrl.u32 s9, $0x3  }
0xc: {  	s15 =	sadd.s32 s9, s3;
	[smem:$0x7FF] =	sst s4;
	s6 =	sshrl.u32 s6, $0x3  }
0xd: {  	s1 =	ssub.s32 s1, s25;
	s8 =	sadd.s32 s8, s26;
	s13 =	sshrl.u32 s13, $0x3  }
0xe: {  	s15 =	sshrl.u32 s15, $0x3;
	s25 =	simm.s32 $0x4DD0;
	s5 =	sshrl.u32 s5, $0x3  }
0xf: {  	s26 =	simm.s32 $0x2670;
	_ =	strace $0x8000004A;
	s10 =	sadd.s32 s5, s0  }
0x10: {  	s5 =	sadd.s32 $0x2800, s0;
	s0 =	sadd.s32 s6, s0;
	s6 =	sshll.u32 s11, $0x6  }
0x11: {  	s12 =	smax.u32 s1, $0x1;
	s7 =	sor.u32 $0x1C01, s6;
	s9 =	sadd.s32 $0x16200, s10  }
0x12: {  	s10 =	sadd.s32 $0x1FE40, s10;
	s11 =	sadd.s32 $0x29C00, s0;
	s14 =	sor.u32 $0x1C02, s6  }
.LBB2_1:
0x13: {  	[spmem:s13], [sflag:s7] =	dma.local [hbm:s5], $0x9C4  }
0x14: {  	[spmem:s15], [sflag:s14] =	dma.local [hbm:s8], $0x9C4  }
0x15: {  	[tilespmem:s4], [sflag:$0x1] =	stream.linear.gather [hbm4b:s9+s4], $0x2710, $0x38;
	[tilespmem:$0xFE60] =	vst v63  }
0x16: {  	_ = 	snop  }
0x17: {  	[tilespmem:s16], [sflag:$0x2] =	stream.linear.gather [hbm4b:s10+s4], $0x2710, $0x38;
	[tilespmem:$0xFE60] =	vst v63  }
0x18: {  	_ =	swait.ge [sflag:s17], $0x9C4  }
0x19: {  	[sflag:s17] =	ssyncset.done $0x0  }
0x1a: {  	[sflag:s17] =	ssyncadd.s32 $0xFFFFF63C  }
0x1b: {  	_ =	swait.ge [sflag:s18], $0x9C4  }
0x1c: {  	[sflag:s18] =	ssyncset.done $0x0  }
0x1d: {  	[sflag:s18] =	ssyncadd.s32 $0xFFFFF63C  }
0x1e: {  	_ =	swait.ge [sflag:s17], $0x2710  }
0x1f: {  	[sflag:s17] =	ssyncset.done $0x0  }
0x20: {  	[sflag:s17] =	ssyncadd.s32 $0xFFFFD8F0  }
0x21: {  	_ =	swait.ge [sflag:s18], $0x2710  }
0x22: {  	[sflag:s18] =	ssyncset.done $0x0  }
0x23: {  	[sflag:s18] =	ssyncadd.s32 $0xFFFFD8F0  }
0x24: {  	[bflag:$0x0] =	sbarrier.arrive $0xFFFF  }
0x25: {  	[tilespmem:s20], [sflag:$0x1] =	stream.indirect.gather [spmem:s3], $0x20, s16, s19, $0xb8;
	[tilespmem:$0xFE60] =	vst v63  }
0x26: {  	s0 =	simm.s32 $0x2760  }
0x27: {  	[tilespmem:s22], [sflag:$0x2] =	stream.indirect.gather [spmem:s3], $0x20, s0, s19, $0xb8;
	[tilespmem:$0xFE60] =	vst v63  }
0x28: {  	_ =	swait.ge [sflag:s17], $0xA00  }
0x29: {  	[sflag:s17] =	ssyncset.done $0x0  }
0x2a: {  	s21 =	simm.s32 $0x0;
	[sflag:s17] =	ssyncadd.s32 $0xFFFFF600  }
0x2b: {  	[spmem:s2] =	stream.indirect.scatter.add.f32 [tilespmem:s20], [sflag:$0x3], $0x20, s21, s19, $0xb8;
	[tilespmem:$0xFE60] =	vst v63  }
0x2c: {  	_ =	swait.ge [sflag:s23], $0xA00  }
0x2d: {  	[sflag:s23] =	ssyncset.done $0x0  }
0x2e: {  	s1 =	simm.s32 $0x27B0;
	[sflag:s23] =	ssyncadd.s32 $0xFFFFF600  }
0x2f: {  	[tilespmem:s20], [sflag:$0x1] =	stream.indirect.gather [spmem:s3], $0x20, s1, s19, $0xb8;
	[tilespmem:$0xFE60] =	vst v63  }
0x30: {  	_ =	swait.ge [sflag:s18], $0xA00  }
0x31: {  	[sflag:s18] =	ssyncset.done $0x0  }
0x32: {  	s21 =	simm.s32 $0x50;
	[sflag:s18] =	ssyncadd.s32 $0xFFFFF600  }
0x33: {  	[spmem:s2] =	stream.indirect.scatter.add.f32 [tilespmem:s22], [sflag:$0x3], $0x20, s21, s19, $0xb8;
	[tilespmem:$0xFE60] =	vst v63  }
0x34: {  	_ =	swait.ge [sflag:s23], $0xA00  }
0x35: {  	[sflag:s23] =	ssyncset.done $0x0  }
0x36: {  	s0 =	simm.s32 $0x2800;
	s1 =	simm.s32 $0x280;
	[sflag:s23] =	ssyncadd.s32 $0xFFFFF600  }
.LBB2_2:
0x37: {  	[tilespmem:s22], [sflag:$0x2] =	stream.indirect.gather [spmem:s3], $0x20, s0, s19, $0xb8;
	[tilespmem:$0xFE60] =	vst v63  }
0x38: {  	s0 =	smov.u32 s1  }
0x39: {  	p0 =	sne.s32 s1, $0x9600;
	s1 =	sadd.s32 $0x280, s1;
	_ =	swait.ge [sflag:s17], $0xA00  }
0x3a: {  	[sflag:s17] =	ssyncset.done $0x0  }
0x3b: {  	s0 =	sshra.s32 s0, $0x2;
	[sflag:s17] =	ssyncadd.s32 $0xFFFFF600  }
0x3c: {  	[spmem:s2] =	stream.indirect.scatter.add.f32 [tilespmem:s20], [sflag:$0x3], $0x20, s0, s19, $0xb8;
	[tilespmem:$0xFE60] =	vst v63  }
0x3d: {  	_ =	swait.ge [sflag:s23], $0xA00  }
0x3e: {  	[sflag:s23] =	ssyncset.done $0x0  }
0x3f: {  	s21 =	sadd.s32 $0x27B0, s0;
	[sflag:s23] =	ssyncadd.s32 $0xFFFFF600  }
0x40: {  	[tilespmem:s20], [sflag:$0x1] =	stream.indirect.gather [spmem:s3], $0x20, s21, s19, $0xb8;
	[tilespmem:$0xFE60] =	vst v63  }
0x41: {  	_ =	swait.ge [sflag:s18], $0xA00  }
0x42: {  	[sflag:s18] =	ssyncset.done $0x0  }
.Ltmp0:
0x43: {  	s21 =	sadd.s32 $0x50, s0;
	[sflag:s18] =	ssyncadd.s32 $0xFFFFF600;
	(pc) =	sbr.rel @p0 .LBB2_2-.Ltmp0, $4  }
0x44: {  	[spmem:s2] =	stream.indirect.scatter.add.f32 [tilespmem:s22], [sflag:$0x3], $0x20, s21, s19, $0xb8;
	[tilespmem:$0xFE60] =	vst v63  }
0x45: {  	_ =	swait.ge [sflag:s23], $0xA00  }
0x46: {  	[sflag:s23] =	ssyncset.done $0x0  }
0x47: {  	s0 =	sadd.s32 $0x2800, s0;
	[sflag:s23] =	ssyncadd.s32 $0xFFFFF600  }
0x48: {  	[tilespmem:s22], [sflag:$0x2] =	stream.indirect.gather [spmem:s3], $0x20, s0, s19, $0xb8;
	[tilespmem:$0xFE60] =	vst v63  }
0x49: {  	_ =	swait.ge [sflag:s17], $0xA00  }
0x4a: {  	[sflag:s17] =	ssyncset.done $0x0  }
0x4b: {  	[sflag:s17] =	ssyncadd.s32 $0xFFFFF600  }
0x4c: {  	[spmem:s2] =	stream.indirect.scatter.add.f32 [tilespmem:s20], [sflag:$0x3], $0x20, s24, s19, $0xb8;
	[tilespmem:$0xFE60] =	vst v63  }
0x4d: {  	_ =	swait.ge [sflag:s23], $0xA00  }
0x4e: {  	[sflag:s23] =	ssyncset.done $0x0  }
0x4f: {  	[sflag:s23] =	ssyncadd.s32 $0xFFFFF600  }
0x50: {  	[tilespmem:s20], [sflag:$0x1] =	stream.indirect.gather [spmem:s3], $0x20, s25, s19, $0xb8;
	[tilespmem:$0xFE60] =	vst v63  }
0x51: {  	_ =	swait.ge [sflag:s18], $0xA00  }
0x52: {  	[sflag:s18] =	ssyncset.done $0x0  }
0x53: {  	[sflag:s18] =	ssyncadd.s32 $0xFFFFF600  }
0x54: {  	[spmem:s2] =	stream.indirect.scatter.add.f32 [tilespmem:s22], [sflag:$0x3], $0x20, s26, s19, $0xb8;
	[tilespmem:$0xFE60] =	vst v63  }
0x55: {  	_ =	swait.ge [sflag:s23], $0xA00  }
0x56: {  	[sflag:s23] =	ssyncset.done $0x0  }
0x57: {  	[sflag:s23] =	ssyncadd.s32 $0xFFFFF600  }
0x58: {  	_ =	swait.ge [sflag:s17], $0xA00  }
0x59: {  	[sflag:s17] =	ssyncset.done $0x0  }
0x5a: {  	[sflag:s17] =	ssyncadd.s32 $0xFFFFF600  }
0x5b: {  	[spmem:s2] =	stream.indirect.scatter.add.f32 [tilespmem:s20], [sflag:$0x3], $0x20, s28, s19, $0xb8;
	[tilespmem:$0xFE60] =	vst v63  }
0x5c: {  	_ =	swait.ge [sflag:s23], $0xA00  }
0x5d: {  	s31 =	sadd.s32 $0x1, s31;
	[sflag:s23] =	ssyncset.done $0x0  }
0x5e: {  	p0 =	sne.s32 s31, s12;
	[sflag:s23] =	ssyncadd.s32 $0xFFFFF600  }
.Ltmp1:
0x5f: {  	s21 =	sor.u32 $0x1C03, s6;
	[bflag:$0x0] =	sbarrier.arrive $0xFFFF;
	(pc) =	sbr.rel @p0 .LBB2_1-.Ltmp1, $4  }
0x60: {  	[hbm:s11@s29], [sflag:s21] =	dma.strided [spmem:s13@s30], $0x9C4, s17, $0x4   }
0x61: {  	_ =	swait.ge [sflag:s23], $0x9C4  }
0x62: {  	[sflag:s23] =	ssyncset.done $0x0  }
0x63: {  	[sflag:s23] =	ssyncadd.s32 $0xFFFFF63C  }
0x64: {  	_ =	sfence.sel $0x180000  }
0x65: {  	[bflag:$0x0] =	sbarrier.arrive $0xFFFF  }
0x66: {  	_ =	strace $0x9000004A  }
0x67: {  	s0 =	stileid.u32;
	[bflag:$0x2] =	sbarrier.arrive $0xFFFF  }
0x68: {  	p0 =	sne.s32 s0, $0x0;
	s0 =	rddreg [dreg:$0x4]  }
0x69: {  	s0 =	sadd.s32 @!p0 $0x100000, s0  }
0x6a: {  	[sflag:s0] =	ssyncadd.tile.s32 @!p0 $0x1;
	_ =	shalt  }
.Lfunc_end2:
_tile_overlayer_lowered:
.L_overlay_start_2:
0x6b: {  	(tag) =	ssettag $0x2  }
0x6c: {  	s0 =	rddreg [dreg:$0x0];
	s2 =	stileid.u32  }
0x6d: {  	s1 =	rddreg [dreg:$0x1];
	p0 =	sne.s32 s2, $0x0  }
0x6e: {  	s3 =	rddreg [dreg:$0x2];
	[bflag:$0x3] =	sbarrier.arrive $0xFFFF;
	s2 =	simm.s32 @!p0 $0x1C03  }
0x6f: {  	[timem:s3], [sflag:s2] =	dma.local @!p0 [hbm:s0], s1  }
0x70: {  	s0 =	simm.s32 @!p0 $0x3  }
0x71: {  	_ =	swait.ge @!p0 [sflag:s0], s1  }
0x72: {  	s1 =	ssub.s32 @!p0 $0x0, s1;
	[sflag:s0] =	ssyncset.done @!p0 $0x0  }
0x73: {  	[sflag:s0] =	ssyncadd.s32 @!p0 s1  }
0x74: {  	[bflag:$0x3] =	sbarrier.arrive $0xFFFF  }
0x75: {  	_ =	shalt  }

// kernel: kernel.7.cloned.1.call-start
scs
__scs_entry_jumppad:
0x0: {  	(pc) =	sbr.rel $0x88, $3  }
0x1: {  	(tag) =	ssettag $0x0;
	lr =	simm.s32 $0x1  }
0x2: {  	[smem:$0x3F95] =	sst lr;
	_ =	strace $0xD0000000  }
0x3: {  	_ = 	snop  }
0x4: {  	_ = 	snop  }
0x5: {  	_ = 	snop  }
0x6: {  	_ = 	snop  }
0x7: {  	_ = 	snop  }
__scs_overlays_trampoline_lowered:
0x8: {  	[smem:$0x3FA4] =	sst s0  }
0x9: {  	[smem:$0x3FA5] =	sst s1  }
0xa: {  	[smem:$0x3FA6] =	sst s2  }
0xb: {  	[smem:$0x3FA7] =	sst s3  }
0xc: {  	[smem:$0x3FA8] =	sst s4  }
0xd: {  	[smem:$0x3FA9] =	sst s5  }
0xe: {  	[smem:$0x3FAA] =	sst s6  }
0xf: {  	[smem:$0x3FAB] =	sst s7  }
0x10: {  	[smem:$0x3FAC] =	sst s8  }
0x11: {  	[smem:$0x3FAD] =	sst s9;
	s0 =	simm.s32 @!p0 $0x0  }
0x12: {  	s1 =	sld [smem:$0x3F93];
	s0 =	simm.s32 @p0 $0x1  }
0x13: {  	[smem:$0x3FAE] =	sst s0;
	s0 =	simm.s32 @!p1 $0x0  }
0x14: {  	s2 =	sld [smem:$0x3F92];
	s0 =	simm.s32 @p1 $0x1  }
0x15: {  	[smem:$0x3FAF] =	sst s0;
	s0 =	simm.s32 @!p2 $0x0  }
0x16: {  	s3 =	sld [smem:$0x3FDB];
	s0 =	simm.s32 @p2 $0x1  }
0x17: {  	s4 =	simm.s32 $0x1BF5;
	[smem:$0x3FB1] =	sst s0  }
0x18: {  	s0 =	sld [smem:$0x3F94];
	_ =	swait.ge [sflag:s4], $0x0  }
0x19: {  	s7 =	sld [smem:$0x3F95]  }
0x1a: {  	s8 =	sadd.s32 $0xFFFFE003, lr  }
0x1b: {  	s9 =	sadd.s32 $0xFFFFFEF7, lr;
	s5 =	simm.s32 $0xFFFFFFFF;
	p2 =	slt.u32 s8, $0xFFFFF086  }
0x1c: {  	p1 =	slt.u32 s9, $0xF7A;
	s5 =	simm.s32 @!p2 $0x0  }
0x1d: {  	s5 =	simm.s32 @p1 $0x1;
	p0 =	seq.s32 s7, s2  }
0x1e: {  	s7 =	smul.u32 @!p0 $0xF7A, s2;
	p2 =	seq.s32 @!p0 s5, $0x0  }
0x1f: {  	s9 =	smul.u32 $0xF7A, s1;
	s8 =	simm.s32 @!p0 $0x1BF5;
	p2 =	por !p2, p0  }
0x20: {  	[sflag:s8] =	ssyncset.s32 @!p0 $0xFFFFF086;
	s6 =	sadd.s32 @!p0 s3, s7;
	s7 =	simm.s32 @!p0 $0x108  }
0x21: {  	s3 =	sadd.s32 s3, s9;
	s6 =	sadd.s32 @!p0 $0x88, s6;
	s7 =	simm.s32 @p2 $0x1082  }
0x22: {  	[simem:s7], [sflag:s8] =	dma.local @!p0 [hbm:s6], $0xF7A  }
0x23: {  	s9 =	sor.u32 $0xD0000000, s2;
	s6 =	simm.s32 $0x108;
	_ =	swait.ge @!p0 [sflag:s8], $0x0  }
0x24: {  	s3 =	sadd.s32 $0x88, s3;
	s6 =	simm.s32 @!p1 $0x1082;
	[sflag:s4] =	ssyncset.s32 $0xFFFFF086  }
0x25: {  	[simem:s6], [sflag:s4] =	dma.local [hbm:s3], $0xF7A  }
0x26: {  	[smem:$0x3F95] =	sst s1;
	(tag) =	ssettag s2;
	_ =	strace s9  }
0x27: {  	s1 =	sld [smem:$0x3FA5]  }
0x28: {  	s2 =	sld [smem:$0x3FA6]  }
0x29: {  	s4 =	sld [smem:$0x3FA8]  }
0x2a: {  	p0 =	seq.s32 s5, $0x0;
	s5 =	sld [smem:$0x3FA9]  }
0x2b: {  	s6 =	sld [smem:$0x3FAA]  }
0x2c: {  	s7 =	sld [smem:$0x3FAB]  }
0x2d: {  	s3 =	simm.s32 $0x108;
	s8 =	sld [smem:$0x3FAC]  }
0x2e: {  	s3 =	simm.s32 @!p0 $0x1082;
	s9 =	sld [smem:$0x3FAD]  }
0x2f: {  	lr =	sadd.s32 s0, s3;
	s0 =	sld [smem:$0x3FA4]  }
0x30: {  	s3 =	sld [smem:$0x3FA7]  }
0x31: {  	[smem:$0x3FB0] =	sst s10  }
0x32: {  	s10 =	sld [smem:$0x3FAE];
	_ =	sdelay $0x3  }
0x33: {  	p0 =	seq.s32 s10, $0x1;
	s10 =	sld [smem:$0x3FB0];
	_ =	sdelay $0x3  }
0x34: {  	[smem:$0x3FB0] =	sst s10  }
0x35: {  	s10 =	sld [smem:$0x3FAF];
	_ =	sdelay $0x3  }
0x36: {  	p1 =	seq.s32 s10, $0x1;
	s10 =	sld [smem:$0x3FB0];
	_ =	sdelay $0x3  }
0x37: {  	[smem:$0x3FB0] =	sst s10  }
0x38: {  	s10 =	sld [smem:$0x3FB1]  }
0x39: {  	_ = 	snop;
	(pc) =	sbr.ind lr, $3  }
0x3a: {  	_ = 	snop  }
0x3b: {  	_ = 	snop  }
0x3c: {  	p2 =	seq.s32 s10, $0x1;
	s10 =	sld [smem:$0x3FB0]  }
0x3d: {  	_ =	shalt  }
0x3e: {  	_ =	shalt  }
0x3f: {  	_ =	shalt  }
0x40: {  	_ =	shalt  }
0x41: {  	_ =	shalt  }
0x42: {  	_ =	shalt  }
0x43: {  	_ =	shalt  }
0x44: {  	_ =	shalt  }
0x45: {  	_ =	shalt  }
0x46: {  	_ =	shalt  }
0x47: {  	_ =	shalt  }
0x48: {  	_ =	shalt  }
0x49: {  	_ =	shalt  }
0x4a: {  	_ =	shalt  }
0x4b: {  	_ =	shalt  }
0x4c: {  	_ =	shalt  }
0x4d: {  	_ =	shalt  }
0x4e: {  	_ =	shalt  }
0x4f: {  	_ =	shalt  }
0x50: {  	_ =	shalt  }
0x51: {  	_ =	shalt  }
0x52: {  	_ =	shalt  }
0x53: {  	_ =	shalt  }
0x54: {  	_ =	shalt  }
0x55: {  	_ =	shalt  }
0x56: {  	_ =	shalt  }
0x57: {  	_ =	shalt  }
0x58: {  	_ =	shalt  }
0x59: {  	_ =	shalt  }
0x5a: {  	_ =	shalt  }
0x5b: {  	_ =	shalt  }
0x5c: {  	_ =	shalt  }
0x5d: {  	_ =	shalt  }
0x5e: {  	_ =	shalt  }
0x5f: {  	_ =	shalt  }
0x60: {  	_ =	shalt  }
0x61: {  	_ =	shalt  }
0x62: {  	_ =	shalt  }
0x63: {  	_ =	shalt  }
0x64: {  	_ =	shalt  }
0x65: {  	_ =	shalt  }
0x66: {  	_ =	shalt  }
0x67: {  	_ =	shalt  }
0x68: {  	_ =	shalt  }
0x69: {  	_ =	shalt  }
0x6a: {  	_ =	shalt  }
0x6b: {  	_ =	shalt  }
0x6c: {  	_ =	shalt  }
0x6d: {  	_ =	shalt  }
0x6e: {  	_ =	shalt  }
0x6f: {  	_ =	shalt  }
0x70: {  	_ =	shalt  }
0x71: {  	_ =	shalt  }
0x72: {  	_ =	shalt  }
0x73: {  	_ =	shalt  }
0x74: {  	_ =	shalt  }
0x75: {  	_ =	shalt  }
0x76: {  	_ =	shalt  }
0x77: {  	_ =	shalt  }
0x78: {  	_ =	shalt  }
0x79: {  	_ =	shalt  }
0x7a: {  	_ =	shalt  }
0x7b: {  	_ =	shalt  }
0x7c: {  	_ =	shalt  }
0x7d: {  	_ =	shalt  }
0x7e: {  	_ =	shalt  }
0x7f: {  	_ =	shalt  }
0x80: {  	_ =	shalt  }
0x81: {  	_ =	shalt  }
0x82: {  	_ =	shalt  }
0x83: {  	_ =	shalt  }
0x84: {  	_ =	shalt  }
0x85: {  	_ =	shalt  }
0x86: {  	_ =	shalt  }
0x87: {  	_ =	shalt  }
.Lfunc_end0:
.L_simem_size_0:
called_computation_lowered:
.L_overlay_start_0:
0x88: {  	s2 =	sld [smem:$0x3FD9]  }
0x89: {  	s3 =	sld [smem:$0x3FFE];
	_ =	sdelay $0x1  }
0x8a: {  	s1 =	srdreg.scid  }
0x8b: {  	s0 =	sand.u32 $0x1, s1  }
0x8c: {  	s17 =	sshll.u32 s0, $0xA;
	s2 =	sadd.s32 s3, s2  }
0x8d: {  	s2 =	sadd.s32 s2, s17  }
0x8e: {  	[smem:$0x3FBC] =	sst s2  }
0x8f: {  	_ = 	snop  }
0x90: {  	s2 =	sld [smem:$0x3FD0];
	(tm) =	ssettm $0x1  }
0x91: {  	s18 =	sld [smem:$0x3FFB];
	_ =	sdelay $0x3  }
0x92: {  	_ =	strace s18  }
0x93: {  	s3 =	sld [smem:$0x3FFC];
	_ =	sdelay $0x3  }
0x94: {  	_ =	strace s3  }
0x95: {  	s3 =	sld [smem:$0x3FFD];
	_ =	sdelay $0x3  }
0x96: {  	_ =	strace s3  }
0x97: {  	_ =	strace $0x8FFFFFFF  }
0x98: {  	s19 =	sld [smem:$0x3FDB];
	_ =	sdelay $0x1  }
0x99: {  	s4 =	simm.s32 $_scs_section_size  }
0x9a: {  	s5 =	simm.s32 $_size__tile_overlayer_lowered;
	s6 =	simm.s32 $_tile_overlayer_lowered  }
0x9b: {  	s22 =	simm.s32 $0x1BFF;
	s21 =	sshll.u32 s6, $0x1;
	s3 =	sadd.s32 s4, s19  }
0x9c: {  	s7 =	simm.s32 $0x0;
	s20 =	sshll.u32 s5, $0x1;
	s5 =	sadd.s32 s21, s3  }
0x9d: {  	[timem:s7], [sflag:s22] =	dma.local [hbm:s5], s20  }
0x9e: {  	_ =	swait.ge [sflag:s22], s20  }
0x9f: {  	s4 =	ssub.s32 $0x0, s20;
	[sflag:s22] =	ssyncset.done $0x0  }
0xa0: {  	[sflag:s22] =	ssyncadd.s32 s4;
	_ =	sdelay $0x1  }
0xa1: {  	s23 =	simm.s32 $0x1B8B  }
0xa2: {  	_ =	swait.ge [sflag:s23], $0x1  }
0xa3: {  	[sflag:s23] =	ssyncset.done $0x0  }
0xa4: {  	s25 =	simm.s32 $0x1B8E;
	s24 =	sld [smem:$0x3FFE];
	[sflag:s23] =	ssyncadd.s32 $0xFFFFFFFF  }
0xa5: {  	s26 =	simm.s32 $execute0_lowered;
	[smem:$0x3FD2] =	sst s25  }
0xa6: {  	s5 =	sshll.u32 s26, $0x1;
	_ =	strace $0x80000046;
	[dreg:$0x1] =	wrdreg $0xFFFFFFFF  }
0xa7: {  	s28 =	simm.s32 $_size_execute0_lowered;
	s3 =	sadd.s32 s3, s5;
	[dreg:$0x0] =	wrdreg $0x0  }
0xa8: {  	s5 =	sshll.u32 s28, $0x1;
	[dreg:$0x2] =	wrdreg s3  }
0xa9: {  	[dreg:$0x3] =	wrdreg s5  }
0xaa: {  	[dreg:$0x4] =	wrdreg $0xC0  }
0xab: {  	_ =	task [dreg:s7], $0x5FFFF  }
0xac: {  	[dreg:$0x1] =	wrdreg $0xFFFFFFFF  }
0xad: {  	[dreg:$0x0] =	wrdreg $0x60  }
0xae: {  	[dreg:$0x2] =	wrdreg s24  }
0xaf: {  	[dreg:$0x3] =	wrdreg s2  }
0xb0: {  	[dreg:$0x4] =	wrdreg $0x114E00  }
0xb1: {  	[dreg:$0x5] =	wrdreg $0x1B1200  }
0xb2: {  	[dreg:$0x6] =	wrdreg $0x78A00  }
0xb3: {  	[dreg:$0x7] =	wrdreg $0x9  }
0xb4: {  	_ =	task.clear_ibuf [dreg:s7], $0x8FFFF;
	_ =	strace $0x90000046  }
0xb5: {  	s29 =	simm.s32 $0x9;
	_ =	strace $0x80000048  }
0xb6: {  	_ =	swait.ge [sflag:s29], $0x1  }
0xb7: {  	[sflag:s29] =	ssyncadd.s32 $0xFFFFFFFF  }
0xb8: {  	_ =	strace $0x90000048  }
0xb9: {  	_ =	sfence  }
0xba: {  	s30 =	sld [smem:$0x0];
	_ =	sdelay $0x2  }
0xbb: {  	s31 =	sshll.u32 s1, $0xD;
	s1 =	sshrl.u32 s1, $0x2  }
0xbc: {  	s3 =	sand.u32 $0x4000, s31;
	s1 =	sadd.s32 s1, s30  }
0xbd: {  	s0 =	sor.u32 s3, s0;
	s1 =	sshll.u32 s1, $0x11  }
0xbe: {  	s0 =	sor.u32 s1, s0  }
0xbf: {  	s0 =	sadd.s32 $0x8F2B, s0  }
0xc0: {  	[sflag:s0] =	ssyncadd.remote.s32 $0x1  }
0xc1: {  	_ =	sfence.sel $0xFFFF  }
0xc2: {  	[dreg:$0x0] =	wrdreg $0xFFFFFFFF;
	(pc) =	sbr.abs _section_cstart, $3  }
0xc3: {  	[dreg:$0x1] =	wrdreg $0xFFFFFFFF  }
0xc4: {  	_ =	task.clear_ibuf [dreg:s7], $0x2FFFF;
	_ =	strace $0x9FFFFFFF  }
0xc5: {  	(tm) =	ssettm $0x7FFFFFFF  }
tec
execute0_lowered:
.L_overlay_start_1:
0x0: {  	(tag) =	ssettag $0x1  }
0x1: {  	s0 =	rddreg [dreg:$0x0]  }
0x2: {  	s2 =	rddreg [dreg:$0x1]  }
0x3: {  	s3 =	srdreg.scid;
	s15 =	stileid.u32  }
0x4: {  	s1 =	rddreg [dreg:$0x2];
	s21 =	simm.s32 $0x2710;
	s29 =	simm.s32 $0x6220  }
0x5: {  	s30 =	simm.s32 $0x3;
	s31 =	simm.s32 $0x2620;
	s28 =	simm.s32 $0x26C0  }
0x6: {  	s6 =	sand.u32 $0x1, s3;
	s4 =	sshll.u32 s15, $0x1;
	s11 =	smul.u32 $0x9C40, s15  }
0x7: {  	s3 =	rddreg [dreg:$0x3];
	s9 =	smul.u32 $0x13880, s15;
	s22 =	sadd.s32 $0x29C00, s0  }
0x8: {  	s23 =	sadd.s32 $0x2B000, s0;
	s24 =	sadd.s32 $0x2B400, s0;
	s14 =	smul.u32 $0x4E20, s15  }
0x9: {  	s5 =	sor.u32 s6, s4;
	s4 =	rddreg [dreg:$0x4];
	s10 =	sshll.u32 s6, $0x6  }
0xa: {  	s25 =	ssub.s32 $0x2, s6;
	s2 =	sadd.s32 s2, s6;
	s7 =	smul.u32 $0x2710, s5  }
0xb: {  	s5 =	simm.s32 $0x0;
	s8 =	sshrl.u32 s11, $0x3;
	s9 =	sor.u32 s10, s9  }
0xc: {  	s13 =	sshrl.u32 s25, $0x1;
	s17 =	sadd.s32 s11, s1;
	s26 =	sshrl.u32 s14, $0x2  }
0xd: {  	s20 =	sadd.s32 s11, s4;
	[smem:$0x7FF] =	sst s5;
	s12 =	sadd.s32 s8, s0  }
0xe: {  	s9 =	sshrl.u32 s9, $0x3;
	s16 =	ssub.s32 s25, s13;
	s19 =	sadd.s32 s26, s3  }
0xf: {  	s17 =	sshrl.u32 s17, $0x3;
	_ =	strace $0x80000047;
	[dreg:$0x6] =	wrdreg s22  }
0x10: {  	s20 =	sshrl.u32 s20, $0x3;
	s25 =	simm.s32 $0x50;
	[dreg:$0x7] =	wrdreg s23  }
0x11: {  	s26 =	simm.s32 $0x4E20;
	s7 =	sshrl.u32 s7, $0x3;
	[dreg:$0x8] =	wrdreg s24  }
0x12: {  	s11 =	sadd.s32 $0x2800, s12;
	s16 =	smax.u32 s16, $0x1;
	s19 =	sshrl.u32 s19, $0x3  }
0x13: {  	s22 =	simm.s32 $0x7620;
	s23 =	simm.s32 $0x1;
	s24 =	simm.s32 $0x2  }
0x14: {  	s7 =	sadd.s32 s7, s0;
	s0 =	sadd.s32 s9, s0;
	s9 =	sshll.u32 s15, $0x6  }
0x15: {  	s15 =	smul.u32 $0x4E2, s15;
	s10 =	sor.u32 $0x1C01, s9;
	s12 =	sadd.s32 $0x16200, s7  }
0x16: {  	s13 =	sadd.s32 $0x1FE40, s7;
	s14 =	sadd.s32 $0x2B600, s0;
	s18 =	sor.u32 $0x1C02, s9  }
0x17: {  	s0 =	simm.s32 $0x2670;
	s15 =	sadd.s32 s15, s2;
	s2 =	simm.s32 $0x0  }
.LBB2_1:
0x18: {  	s6 =	rddreg [dreg:$0x6]  }
0x19: {  	[spmem:s17], [sflag:s10] =	dma.local [hbm:s6], $0x1388  }
0x1a: {  	s6 =	rddreg [dreg:$0x7]  }
0x1b: {  	[spmem:s19], [sflag:s18] =	dma.local [hbm:s6], $0x271  }
0x1c: {  	[spmem:s20], [sflag:s10] =	dma.local [hbm:s11], $0x1388  }
0x1d: {  	[tilespmem:s5], [sflag:$0x2] =	stream.linear.gather [hbm4b:s12+s5], $0x2710, $0x38;
	[tilespmem:$0x1C4A8] =	vst v63  }
0x1e: {  	_ = 	snop  }
0x1f: {  	[tilespmem:s21], [sflag:$0x1] =	stream.linear.gather [hbm4b:s13+s5], $0x2710, $0x38;
	[tilespmem:$0x1C4A8] =	vst v63  }
0x20: {  	s8 =	rddreg [dreg:$0x8]  }
0x21: {  	[tilespmem:s22], [sflag:$0x2] =	stream.linear.gather [hbm4b:s8+s5], $0x280, $0x38;
	[tilespmem:$0x1C4A8] =	vst v63  }
0x22: {  	_ =	swait.ge [sflag:s23], $0x1388  }
0x23: {  	[sflag:s23] =	ssyncset.done $0x0  }
0x24: {  	[sflag:s23] =	ssyncadd.s32 $0xFFFFEC78  }
0x25: {  	_ =	swait.ge [sflag:s24], $0x271  }
0x26: {  	[sflag:s24] =	ssyncset.done $0x0  }
0x27: {  	[sflag:s24] =	ssyncadd.s32 $0xFFFFFD8F  }
0x28: {  	_ =	swait.ge [sflag:s23], $0x1388  }
0x29: {  	[sflag:s23] =	ssyncset.done $0x0  }
0x2a: {  	[sflag:s23] =	ssyncadd.s32 $0xFFFFEC78  }
0x2b: {  	_ =	swait.ge [sflag:s24], $0x2710  }
0x2c: {  	[sflag:s24] =	ssyncset.done $0x0  }
0x2d: {  	[sflag:s24] =	ssyncadd.s32 $0xFFFFD8F0  }
0x2e: {  	_ =	swait.ge [sflag:s23], $0x2710  }
0x2f: {  	[sflag:s23] =	ssyncset.done $0x0  }
0x30: {  	[sflag:s23] =	ssyncadd.s32 $0xFFFFD8F0  }
0x31: {  	_ =	swait.ge [sflag:s24], $0x280  }
0x32: {  	[sflag:s24] =	ssyncset.done $0x0  }
0x33: {  	[sflag:s24] =	ssyncadd.s32 $0xFFFFFD80  }
0x34: {  	[bflag:$0x0] =	sbarrier.arrive $0xFFFF  }
0x35: {  	[tilespmem:s26], [sflag:$0x1] =	stream.indirect.gather [spmem:s4], $0x40, s21, s25, $0xb8;
	[tilespmem:$0x1C4A8] =	vst v63  }
0x36: {  	s7 =	simm.s32 $0x2760  }
0x37: {  	[tilespmem:s29], [sflag:$0x2] =	stream.indirect.gather [spmem:s4], $0x40, s7, s25, $0xb8;
	[tilespmem:$0x1C4A8] =	vst v63  }
0x38: {  	_ =	swait.ge [sflag:s23], $0x1400  }
0x39: {  	[sflag:s23] =	ssyncset.done $0x0  }
0x3a: {  	s8 =	simm.s32 $0x0;
	[sflag:s23] =	ssyncadd.s32 $0xFFFFEC00  }
0x3b: {  	[spmem:s1] =	stream.indirect.scatter.add.f32 [tilespmem:s26], [sflag:$0x3], $0x40, s8, s25, $0xb8;
	[tilespmem:$0x1C4A8] =	vst v63  }
0x3c: {  	_ =	swait.ge [sflag:s30], $0x1400  }
0x3d: {  	[sflag:s30] =	ssyncset.done $0x0  }
0x3e: {  	[sflag:s30] =	ssyncadd.s32 $0xFFFFEC00  }
0x3f: {  	[spmem:s3] =	stream.indirect.scatter.add.f32 [tilespmem:s22], [sflag:$0x3], $0x8, s8, s25, $0xb8;
	[tilespmem:$0x1C4A8] =	vst v63  }
0x40: {  	_ =	swait.ge [sflag:s30], $0x280  }
0x41: {  	[sflag:s30] =	ssyncset.done $0x0  }
0x42: {  	s7 =	simm.s32 $0x27B0;
	[sflag:s30] =	ssyncadd.s32 $0xFFFFFD80  }
0x43: {  	[tilespmem:s26], [sflag:$0x1] =	stream.indirect.gather [spmem:s4], $0x40, s7, s25, $0xb8;
	[tilespmem:$0x1C4A8] =	vst v63  }
0x44: {  	_ =	swait.ge [sflag:s24], $0x1400  }
0x45: {  	[sflag:s24] =	ssyncset.done $0x0  }
0x46: {  	s8 =	simm.s32 $0x50;
	[sflag:s24] =	ssyncadd.s32 $0xFFFFEC00  }
0x47: {  	[spmem:s1] =	stream.indirect.scatter.add.f32 [tilespmem:s29], [sflag:$0x3], $0x40, s8, s25, $0xb8;
	[tilespmem:$0x1C4A8] =	vst v63  }
0x48: {  	_ =	swait.ge [sflag:s30], $0x1400  }
0x49: {  	[sflag:s30] =	ssyncset.done $0x0  }
0x4a: {  	[sflag:s30] =	ssyncadd.s32 $0xFFFFEC00  }
0x4b: {  	[spmem:s3] =	stream.indirect.scatter.add.f32 [tilespmem:s22], [sflag:$0x3], $0x8, s8, s25, $0xb8;
	[tilespmem:$0x1C4A8] =	vst v63  }
0x4c: {  	_ =	swait.ge [sflag:s30], $0x280  }
0x4d: {  	[sflag:s30] =	ssyncset.done $0x0  }
0x4e: {  	s6 =	simm.s32 $0x280;
	s7 =	simm.s32 $0x2800;
	[sflag:s30] =	ssyncadd.s32 $0xFFFFFD80  }
.LBB2_2:
0x4f: {  	[tilespmem:s29], [sflag:$0x2] =	stream.indirect.gather [spmem:s4], $0x40, s7, s25, $0xb8;
	[tilespmem:$0x1C4A8] =	vst v63  }
0x50: {  	s7 =	smov.u32 s6  }
0x51: {  	p0 =	sne.s32 s6, $0x9600;
	s6 =	sadd.s32 $0x280, s6;
	_ =	swait.ge [sflag:s23], $0x1400  }
0x52: {  	[sflag:s23] =	ssyncset.done $0x0  }
0x53: {  	s7 =	sshra.s32 s7, $0x2;
	[sflag:s23] =	ssyncadd.s32 $0xFFFFEC00  }
0x54: {  	[spmem:s1] =	stream.indirect.scatter.add.f32 [tilespmem:s26], [sflag:$0x3], $0x40, s7, s25, $0xb8;
	[tilespmem:$0x1C4A8] =	vst v63  }
0x55: {  	_ =	swait.ge [sflag:s30], $0x1400  }
0x56: {  	[sflag:s30] =	ssyncset.done $0x0  }
0x57: {  	[sflag:s30] =	ssyncadd.s32 $0xFFFFEC00  }
0x58: {  	[spmem:s3] =	stream.indirect.scatter.add.f32 [tilespmem:s22], [sflag:$0x3], $0x8, s7, s25, $0xb8;
	[tilespmem:$0x1C4A8] =	vst v63  }
0x59: {  	_ =	swait.ge [sflag:s30], $0x280  }
0x5a: {  	[sflag:s30] =	ssyncset.done $0x0  }
0x5b: {  	s8 =	sadd.s32 $0x27B0, s7;
	[sflag:s30] =	ssyncadd.s32 $0xFFFFFD80  }
0x5c: {  	[tilespmem:s26], [sflag:$0x1] =	stream.indirect.gather [spmem:s4], $0x40, s8, s25, $0xb8;
	[tilespmem:$0x1C4A8] =	vst v63  }
0x5d: {  	_ =	swait.ge [sflag:s24], $0x1400  }
0x5e: {  	[sflag:s24] =	ssyncset.done $0x0  }
0x5f: {  	s8 =	sadd.s32 $0x50, s7;
	[sflag:s24] =	ssyncadd.s32 $0xFFFFEC00  }
0x60: {  	[spmem:s1] =	stream.indirect.scatter.add.f32 [tilespmem:s29], [sflag:$0x3], $0x40, s8, s25, $0xb8;
	[tilespmem:$0x1C4A8] =	vst v63  }
0x61: {  	_ =	swait.ge [sflag:s30], $0x1400  }
0x62: {  	[sflag:s30] =	ssyncset.done $0x0  }
.Ltmp0:
0x63: {  	[sflag:s30] =	ssyncadd.s32 $0xFFFFEC00;
	(pc) =	sbr.rel @p0 .LBB2_2-.Ltmp0, $4  }
0x64: {  	[spmem:s3] =	stream.indirect.scatter.add.f32 [tilespmem:s22], [sflag:$0x3], $0x8, s8, s25, $0xb8;
	[tilespmem:$0x1C4A8] =	vst v63  }
0x65: {  	_ =	swait.ge [sflag:s30], $0x280  }
0x66: {  	[sflag:s30] =	ssyncset.done $0x0  }
0x67: {  	s7 =	sadd.s32 $0x2800, s7;
	[sflag:s30] =	ssyncadd.s32 $0xFFFFFD80  }
0x68: {  	[tilespmem:s29], [sflag:$0x2] =	stream.indirect.gather [spmem:s4], $0x40, s7, s25, $0xb8;
	[tilespmem:$0x1C4A8] =	vst v63  }
0x69: {  	_ =	swait.ge [sflag:s23], $0x1400  }
0x6a: {  	[sflag:s23] =	ssyncset.done $0x0  }
0x6b: {  	[sflag:s23] =	ssyncadd.s32 $0xFFFFEC00  }
0x6c: {  	[spmem:s1] =	stream.indirect.scatter.add.f32 [tilespmem:s26], [sflag:$0x3], $0x40, s31, s25, $0xb8;
	[tilespmem:$0x1C4A8] =	vst v63  }
0x6d: {  	_ =	swait.ge [sflag:s30], $0x1400  }
0x6e: {  	[sflag:s30] =	ssyncset.done $0x0  }
0x6f: {  	[sflag:s30] =	ssyncadd.s32 $0xFFFFEC00  }
0x70: {  	[spmem:s3] =	stream.indirect.scatter.add.f32 [tilespmem:s22], [sflag:$0x3], $0x8, s31, s25, $0xb8;
	[tilespmem:$0x1C4A8] =	vst v63  }
0x71: {  	_ =	swait.ge [sflag:s30], $0x280  }
0x72: {  	[sflag:s30] =	ssyncset.done $0x0  }
0x73: {  	s6 =	simm.s32 $0x4DD0;
	[sflag:s30] =	ssyncadd.s32 $0xFFFFFD80  }
0x74: {  	[tilespmem:s26], [sflag:$0x1] =	stream.indirect.gather [spmem:s4], $0x40, s6, s25, $0xb8;
	[tilespmem:$0x1C4A8] =	vst v63  }
0x75: {  	_ =	swait.ge [sflag:s24], $0x1400  }
0x76: {  	[sflag:s24] =	ssyncset.done $0x0  }
0x77: {  	[sflag:s24] =	ssyncadd.s32 $0xFFFFEC00  }
0x78: {  	[spmem:s1] =	stream.indirect.scatter.add.f32 [tilespmem:s29], [sflag:$0x3], $0x40, s0, s25, $0xb8;
	[tilespmem:$0x1C4A8] =	vst v63  }
0x79: {  	_ =	swait.ge [sflag:s30], $0x1400  }
0x7a: {  	[sflag:s30] =	ssyncset.done $0x0  }
0x7b: {  	[sflag:s30] =	ssyncadd.s32 $0xFFFFEC00  }
0x7c: {  	[spmem:s3] =	stream.indirect.scatter.add.f32 [tilespmem:s22], [sflag:$0x3], $0x8, s0, s25, $0xb8;
	[tilespmem:$0x1C4A8] =	vst v63  }
0x7d: {  	_ =	swait.ge [sflag:s30], $0x280  }
0x7e: {  	[sflag:s30] =	ssyncset.done $0x0  }
0x7f: {  	[sflag:s30] =	ssyncadd.s32 $0xFFFFFD80  }
0x80: {  	_ =	swait.ge [sflag:s23], $0x1400  }
0x81: {  	[sflag:s23] =	ssyncset.done $0x0  }
0x82: {  	[sflag:s23] =	ssyncadd.s32 $0xFFFFEC00  }
0x83: {  	[spmem:s1] =	stream.indirect.scatter.add.f32 [tilespmem:s26], [sflag:$0x3], $0x40, s28, s25, $0xb8;
	[tilespmem:$0x1C4A8] =	vst v63  }
0x84: {  	_ =	swait.ge [sflag:s30], $0x1400  }
0x85: {  	[sflag:s30] =	ssyncset.done $0x0  }
0x86: {  	[sflag:s30] =	ssyncadd.s32 $0xFFFFEC00  }
0x87: {  	[spmem:s3] =	stream.indirect.scatter.add.f32 [tilespmem:s22], [sflag:$0x3], $0x8, s28, s25, $0xb8;
	[tilespmem:$0x1C4A8] =	vst v63  }
0x88: {  	_ =	swait.ge [sflag:s30], $0x280  }
0x89: {  	[sflag:s30] =	ssyncset.done $0x0  }
0x8a: {  	s7 =	simm.s32 $0x10;
	[sflag:s30] =	ssyncadd.s32 $0xFFFFFD80  }
0x8b: {  	s8 =	simm.s32 $0x8;
	s6 =	sor.u32 $0x1C03, s9;
	[bflag:$0x0] =	sbarrier.arrive $0xFFFF  }
0x8c: {  	[hbm:s14@s7], [sflag:s6] =	dma.strided [spmem:s17@s8], $0x1388, s23, $0x8   }
0x8d: {  	s2 =	sadd.s32 $0x1, s2;
	_ =	swait.ge [sflag:s30], $0x1388  }
0x8e: {  	p0 =	sne.s32 s2, s16;
	[sflag:s30] =	ssyncset.done $0x0  }
.Ltmp1:
0x8f: {  	[sflag:s30] =	ssyncadd.s32 $0xFFFFEC78;
	(pc) =	sbr.rel @p0 .LBB2_1-.Ltmp1, $4  }
0x90: {  	[hbm:s15@s24], [sflag:s6] =	dma.strided [spmem:s19@s23], $0x271, s23, $0x1   }
0x91: {  	_ =	swait.ge [sflag:s30], $0x271  }
0x92: {  	[sflag:s30] =	ssyncset.done $0x0  }
0x93: {  	[sflag:s30] =	ssyncadd.s32 $0xFFFFFD8F  }
0x94: {  	_ =	sfence.sel $0x180000  }
0x95: {  	[bflag:$0x0] =	sbarrier.arrive $0xFFFF  }
0x96: {  	_ =	strace $0x90000047  }
0x97: {  	s0 =	stileid.u32;
	[bflag:$0x2] =	sbarrier.arrive $0xFFFF  }
0x98: {  	p0 =	sne.s32 s0, $0x0;
	s0 =	rddreg [dreg:$0x5]  }
0x99: {  	s0 =	sadd.s32 @!p0 $0x100000, s0  }
0x9a: {  	[sflag:s0] =	ssyncadd.tile.s32 @!p0 $0x1;
	_ =	shalt  }
.Lfunc_end2:
_tile_overlayer_lowered:
.L_overlay_start_2:
0x9b: {  	(tag) =	ssettag $0x2  }
0x9c: {  	s0 =	rddreg [dreg:$0x0];
	s2 =	stileid.u32  }
0x9d: {  	s1 =	rddreg [dreg:$0x1];
	p0 =	sne.s32 s2, $0x0  }
0x9e: {  	s3 =	rddreg [dreg:$0x2];
	[bflag:$0x3] =	sbarrier.arrive $0xFFFF;
	s2 =	simm.s32 @!p0 $0x1C03  }
0x9f: {  	[timem:s3], [sflag:s2] =	dma.local @!p0 [hbm:s0], s1  }
0xa0: {  	s0 =	simm.s32 @!p0 $0x3  }
0xa1: {  	_ =	swait.ge @!p0 [sflag:s0], s1  }
0xa2: {  	s1 =	ssub.s32 @!p0 $0x0, s1;
	[sflag:s0] =	ssyncset.done @!p0 $0x0  }
0xa3: {  	[sflag:s0] =	ssyncadd.s32 @!p0 s1  }
0xa4: {  	[bflag:$0x3] =	sbarrier.arrive $0xFFFF  }
0xa5: {  	_ =	shalt  }

</sc_bundles>
